<compile_context>
chip_gen: v7x
topology: tpu7x:2x2x1
jax: 0.10.2.dev20260603
libtpu: 0.0.44.dev20260713+nightly
codegen_flags: <defaults>
</compile_context>

<pallas_src>
import functools
import jax
import jax.numpy as jnp
from jax import lax
from jax.experimental import pallas as pl
from jax.experimental.pallas import tpu as pltpu
from jax.experimental.pallas import tpu_sc as plsc

_B, _L, _V, _D = 1024, 200, 1000000, 300
_DP = 384
_NC, _NS = 2, 16
_NW = _NC * _NS
_UPW = _B // _NW


def _body(idx_hbm, len_hbm, table_hbm, out_hbm, idx_v, rows, len_v, sem):
    wid = lax.axis_index("s") * _NC + lax.axis_index("c")
    b0 = wid * _UPW
    pltpu.sync_copy(len_hbm.at[pl.ds(b0, _UPW)], len_v)

    t2 = pl.multiple_of(jnp.minimum(len_v[pl.ds(0, 16)][0], 0) + 256, 128)

    def utt(u, carry):
        b = b0 + u
        pltpu.sync_copy(idx_hbm.at[b], idx_v)
        cps = []
        for lo, n in ((0, 128), (128, 72)):
            isl = idx_v.at[pl.ds(lo, n)]
            cps.append(pltpu.async_copy(
                table_hbm.at[isl, pl.ds(0, 128)],
                rows.at[pl.ds(lo, n), pl.ds(0, 128)], sem))
            cps.append(pltpu.async_copy(
                table_hbm.at[isl, pl.ds(128, 128)],
                rows.at[pl.ds(lo, n), pl.ds(128, 128)], sem))
            cps.append(pltpu.async_copy(
                table_hbm.at[isl, pl.ds(t2, 128)],
                rows.at[pl.ds(lo, n), pl.ds(256, 128)], sem))
        for cp in cps:
            cp.wait()

        ln = plsc.load_gather(len_v, [jnp.full((16,), u, jnp.int32)])[0]
        zeros = jnp.zeros((16,), jnp.float32)

        def zrow(r, c2):
            for c in range(_D // 16):
                rows[r, pl.ds(c * 16, 16)] = zeros
            rows[r, pl.ds(_D - 16, 16)] = zeros
            return c2

        lax.fori_loop(ln, _L, zrow, 0)

        wps = [
            pltpu.async_copy(rows.at[:, pl.ds(0, 128)],
                             out_hbm.at[b, :, pl.ds(0, 128)], sem),
            pltpu.async_copy(rows.at[:, pl.ds(128, 128)],
                             out_hbm.at[b, :, pl.ds(128, 128)], sem),
            pltpu.async_copy(rows.at[:, pl.ds(256, 128)],
                             out_hbm.at[b, :, pl.ds(t2, 128)], sem),
        ]
        for wp in wps:
            wp.wait()
        return carry

    lax.fori_loop(0, _UPW, utt, 0)


def kernel(indices, lengths, table):
    k = pl.kernel(
        _body,
        out_type=jax.ShapeDtypeStruct((_B, _L, _D), jnp.float32),
        mesh=plsc.VectorSubcoreMesh(core_axis_name="c", subcore_axis_name="s"),
        compiler_params=pltpu.CompilerParams(needs_layout_passes=False),
        scratch_types=[
            pltpu.VMEM((_L,), jnp.int32),
            pltpu.VMEM((_L, _DP), jnp.float32),
            pltpu.VMEM((_UPW,), jnp.int32),
            pltpu.SemaphoreType.DMA,
        ],
    )
    return k(indices, lengths, table)

# --- scband reference (transcript-rebuilt; emitter-appended) ---
"""Pipeline reference for scband-fast-text-layer-51496657879063 (READ-ONLY COPY).

The authoritative reference and input builder live on the scoring server;
editing this copy changes nothing except your own understanding.
"""

import jax, jax.numpy as jnp
import numpy as np

B, L, V, D = 1024, 200, 1000000, 300

def setup_inputs(seed: int = 0) -> dict:
    key = jax.random.key(seed)
    k1, k2, k3 = jax.random.split(key, 3)
    # token ids per utterance, already split/tokenized (stand-in for utterance.split())
    indices = jax.random.randint(k1, (B, L), 0, V, dtype=jnp.int32)
    # actual number of tokens in each utterance (pad_sequence pads the rest with zeros)
    lengths = jax.random.randint(k2, (B,), 1, L + 1, dtype=jnp.int32)
    # FastText vector table (vocab x 300), the learned/pretrained parameter
    table = jax.random.normal(k3, (V, D), dtype=jnp.float32) * 0.02
    return {"indices": indices, "lengths": lengths, "table": table}

def reference(indices, lengths, table):
    # get_vecs_by_tokens -> row gather from the FastText table
    emb = jnp.take(table, indices, axis=0)  # [B, L, D]
    # nn.utils.rnn.pad_sequence(batch_first=True) zero-pads beyond each sequence length
    mask = (jnp.arange(emb.shape[1])[None, :] < lengths[:, None]).astype(emb.dtype)  # [B, L]
    return emb * mask[:, :, None]

if __name__ == "__main__":
    import jax
    _d = setup_inputs()
    print(jax.jit(kernel)(*tuple(_d.values())))

</pallas_src>

<mosaic_0001>
#map = affine_map<(d0, d1) -> (0, 0)>
#map1 = affine_map<(d0, d1) -> (0)>
#map2 = affine_map<(d0, d1) -> (0, 0, 0)>
module attributes {stable_mosaic.version = 14 : i64} {
  func.func @_body(%arg0: i32, %arg1: i32, %arg2: memref<1024x200xi32, #tpu.memory_space<hbm>>, %arg3: memref<1024xi32, #tpu.memory_space<hbm>>, %arg4: memref<1000000x300xf32, #tpu.memory_space<hbm>>, %arg5: memref<1024x200x300xf32, #tpu.memory_space<hbm>>, %arg6: memref<200xi32, #tpu.memory_space<vmem>>, %arg7: memref<200x384xf32, #tpu.memory_space<vmem>>, %arg8: memref<32xi32, #tpu.memory_space<vmem>>, %arg9: memref<!tpu.dma_semaphore, #tpu.memory_space<semaphore_mem>>) attributes {dimension_semantics = [#tpu.dimension_semantics<core_parallel>, #tpu.dimension_semantics<subcore_parallel>], iteration_bounds = array<i64: 2, 16>, scalar_prefetch = 0 : i64, scratch_operands = 4 : i64, tpu.core_type = #tpu.core_type<sc_vector_subcore>, window_params = [{transform_indices = #map}, {transform_indices = #map1}, {transform_indices = #map}, {transform_indices = #map2}]} {
    %mul3A = arith.constant 2 : i32
    %mul3A_0 = arith.muli %arg1, %mul3A : i32
    %add3A = arith.addi %mul3A_0, %arg0 : i32
    %mul3A_1 = arith.constant 32 : i32
    %mul3A_2 = arith.muli %add3A, %mul3A_1 : i32
    "tpu.region"() ({
      %run_scoped3A = tpu.sem_alloc : memref<!tpu.dma_semaphore, #tpu.memory_space<semaphore_mem>>
      %dma_start3A = tpu.memref_slice %arg3[%mul3A_2] : memref<1024xi32, #tpu.memory_space<hbm>> -> memref<32xi32, #tpu.memory_space<hbm>>
      %dma_start3A_12 = tpu.memref_slice %arg3[%mul3A_2] : memref<1024xi32, #tpu.memory_space<hbm>> -> memref<32xi32, #tpu.memory_space<hbm>>
      tpu.enqueue_dma source(%dma_start3A_12 : memref<32xi32, #tpu.memory_space<hbm>>) target(%arg8 : memref<32xi32, #tpu.memory_space<vmem>>) target_semaphore(%run_scoped3A : memref<!tpu.dma_semaphore, #tpu.memory_space<semaphore_mem>>)
      %dma_wait3A = tpu.memref_slice %arg3[%mul3A_2] : memref<1024xi32, #tpu.memory_space<hbm>> -> memref<32xi32, #tpu.memory_space<hbm>>
      %dma_wait3A_13 = tpu.memref_slice %arg3[%mul3A_2] : memref<1024xi32, #tpu.memory_space<hbm>> -> memref<32xi32, #tpu.memory_space<hbm>>
      tpu.wait_dma2 semaphore(%run_scoped3A : memref<!tpu.dma_semaphore, #tpu.memory_space<semaphore_mem>>) src(%dma_wait3A_13 : memref<32xi32, #tpu.memory_space<hbm>>) dst(%arg8 : memref<32xi32, #tpu.memory_space<vmem>>)
      tpu.yield
    }) : () -> ()
    %get3A = arith.constant 0 : index
    %get3A_3 = tpu.vector_load %arg8[%get3A] {strides = array<i32>} : memref<32xi32, #tpu.memory_space<vmem>>, vector<16xi32>,
    %slice3A = vector.extract_strided_slice %get3A_3 {offsets = [0], sizes = [1], strides = [1]} : vector<16xi32> to vector<1xi32>
    %squeeze3A = vector.extract %slice3A[0] : i32 from vector<1xi32>
    %min3A = arith.constant 0 : i32
    %min3A_4 = arith.minsi %squeeze3A, %min3A : i32
    %add3A_5 = arith.constant 256 : i32
    %add3A_6 = arith.addi %min3A_4, %add3A_5 : i32
    %multiple_of3A = tpu.assume_multiple %add3A_6, 128 : i32
    %scan3A = arith.constant 0 : i32
    %scan3A_7 = arith.constant 0 : i32
    %scan3A_8 = arith.constant 32 : i32
    %scan3A_9 = arith.addi %scan3A_7, %scan3A_8 : i32
    %scan3A_10 = arith.constant 1 : i32
    scf.for %scan3A_12 = %scan3A_7 to %scan3A_9 step %scan3A_10  : i32 {
      %add3A_13 = arith.addi %mul3A_2, %scan3A_12 : i32
      "tpu.region"() ({
        %run_scoped3A = tpu.sem_alloc : memref<!tpu.dma_semaphore, #tpu.memory_space<semaphore_mem>>
        %dma_start3A_197 = arith.constant 0 : i32
        %dma_start3A_198 = tpu.memref_slice %arg2[%add3A_13, %dma_start3A_197] : memref<1024x200xi32, #tpu.memory_space<hbm>> -> memref<1x200xi32, #tpu.memory_space<hbm>>
        %dma_start3A_199 = tpu.memref_squeeze %dma_start3A_198 : memref<1x200xi32, #tpu.memory_space<hbm>> -> memref<200xi32, #tpu.memory_space<hbm>>
        %dma_start3A_200 = arith.constant 0 : i32
        %dma_start3A_201 = tpu.memref_slice %arg2[%add3A_13, %dma_start3A_200] : memref<1024x200xi32, #tpu.memory_space<hbm>> -> memref<1x200xi32, #tpu.memory_space<hbm>>
        %dma_start3A_202 = tpu.memref_squeeze %dma_start3A_201 : memref<1x200xi32, #tpu.memory_space<hbm>> -> memref<200xi32, #tpu.memory_space<hbm>>
        tpu.enqueue_dma source(%dma_start3A_202 : memref<200xi32, #tpu.memory_space<hbm>>) target(%arg6 : memref<200xi32, #tpu.memory_space<vmem>>) target_semaphore(%run_scoped3A : memref<!tpu.dma_semaphore, #tpu.memory_space<semaphore_mem>>)
        %dma_wait3A_203 = arith.constant 0 : i32
        %dma_wait3A_204 = tpu.memref_slice %arg2[%add3A_13, %dma_wait3A_203] : memref<1024x200xi32, #tpu.memory_space<hbm>> -> memref<1x200xi32, #tpu.memory_space<hbm>>
        %dma_wait3A_205 = tpu.memref_squeeze %dma_wait3A_204 : memref<1x200xi32, #tpu.memory_space<hbm>> -> memref<200xi32, #tpu.memory_space<hbm>>
        %dma_wait3A_206 = arith.constant 0 : i32
        %dma_wait3A_207 = tpu.memref_slice %arg2[%add3A_13, %dma_wait3A_206] : memref<1024x200xi32, #tpu.memory_space<hbm>> -> memref<1x200xi32, #tpu.memory_space<hbm>>
        %dma_wait3A_208 = tpu.memref_squeeze %dma_wait3A_207 : memref<1x200xi32, #tpu.memory_space<hbm>> -> memref<200xi32, #tpu.memory_space<hbm>>
        tpu.wait_dma2 semaphore(%run_scoped3A : memref<!tpu.dma_semaphore, #tpu.memory_space<semaphore_mem>>) src(%dma_wait3A_208 : memref<200xi32, #tpu.memory_space<hbm>>) dst(%arg6 : memref<200xi32, #tpu.memory_space<vmem>>)
        tpu.yield
      }) : () -> ()
      %dma_start3A = arith.constant 0 : i32
      %dma_start3A_14 = arith.constant 0 : i32
      %dma_start3A_15 = tpu.memref_slice %arg7[%dma_start3A, %dma_start3A_14] : memref<200x384xf32, #tpu.memory_space<vmem>> -> memref<128x128xf32, #tpu.memory_space<vmem>>
      %dma_start3A_16 = arith.constant 0 : i32
      %dma_start3A_17 = tpu.memref_slice %arg6[%dma_start3A_16] : memref<200xi32, #tpu.memory_space<vmem>> -> memref<128xi32, #tpu.memory_space<vmem>>
      %dma_start3A_18 = arith.constant 0 : i32
      %dma_start3A_19 = arith.constant 0 : i32
      %dma_start3A_20 = tpu.memref_slice %arg4[%dma_start3A_18, %dma_start3A_19] : memref<1000000x300xf32, #tpu.memory_space<hbm>> -> memref<1000000x128xf32, #tpu.memory_space<hbm>>
      tpu.enqueue_indirect_dma source(%dma_start3A_20 : memref<1000000x128xf32, #tpu.memory_space<hbm>>) target(%dma_start3A_15 : memref<128x128xf32, #tpu.memory_space<vmem>>) offsets(%dma_start3A_17 : memref<128xi32, #tpu.memory_space<vmem>>) semaphore(%arg9 : memref<!tpu.dma_semaphore, #tpu.memory_space<semaphore_mem>>)
      %dma_start3A_21 = arith.constant 0 : i32
      %dma_start3A_22 = arith.constant 128 : i32
      %dma_start3A_23 = tpu.memref_slice %arg7[%dma_start3A_21, %dma_start3A_22] : memref<200x384xf32, #tpu.memory_space<vmem>> -> memref<128x128xf32, #tpu.memory_space<vmem>>
      %dma_start3A_24 = arith.constant 0 : i32
      %dma_start3A_25 = tpu.memref_slice %arg6[%dma_start3A_24] : memref<200xi32, #tpu.memory_space<vmem>> -> memref<128xi32, #tpu.memory_space<vmem>>
      %dma_start3A_26 = arith.constant 0 : i32
      %dma_start3A_27 = arith.constant 128 : i32
      %dma_start3A_28 = tpu.memref_slice %arg4[%dma_start3A_26, %dma_start3A_27] : memref<1000000x300xf32, #tpu.memory_space<hbm>> -> memref<1000000x128xf32, #tpu.memory_space<hbm>>
      tpu.enqueue_indirect_dma source(%dma_start3A_28 : memref<1000000x128xf32, #tpu.memory_space<hbm>>) target(%dma_start3A_23 : memref<128x128xf32, #tpu.memory_space<vmem>>) offsets(%dma_start3A_25 : memref<128xi32, #tpu.memory_space<vmem>>) semaphore(%arg9 : memref<!tpu.dma_semaphore, #tpu.memory_space<semaphore_mem>>)
      %dma_start3A_29 = arith.constant 0 : i32
      %dma_start3A_30 = arith.constant 256 : i32
      %dma_start3A_31 = tpu.memref_slice %arg7[%dma_start3A_29, %dma_start3A_30] : memref<200x384xf32, #tpu.memory_space<vmem>> -> memref<128x128xf32, #tpu.memory_space<vmem>>
      %dma_start3A_32 = arith.constant 0 : i32
      %dma_start3A_33 = tpu.memref_slice %arg6[%dma_start3A_32] : memref<200xi32, #tpu.memory_space<vmem>> -> memref<128xi32, #tpu.memory_space<vmem>>
      %dma_start3A_34 = arith.constant 0 : i32
      %dma_start3A_35 = tpu.memref_slice %arg4[%dma_start3A_34, %multiple_of3A] : memref<1000000x300xf32, #tpu.memory_space<hbm>> -> memref<1000000x128xf32, #tpu.memory_space<hbm>>
      tpu.enqueue_indirect_dma source(%dma_start3A_35 : memref<1000000x128xf32, #tpu.memory_space<hbm>>) target(%dma_start3A_31 : memref<128x128xf32, #tpu.memory_space<vmem>>) offsets(%dma_start3A_33 : memref<128xi32, #tpu.memory_space<vmem>>) semaphore(%arg9 : memref<!tpu.dma_semaphore, #tpu.memory_space<semaphore_mem>>)
      %dma_start3A_36 = arith.constant 128 : i32
      %dma_start3A_37 = arith.constant 0 : i32
      %dma_start3A_38 = tpu.memref_slice %arg7[%dma_start3A_36, %dma_start3A_37] : memref<200x384xf32, #tpu.memory_space<vmem>> -> memref<72x128xf32, #tpu.memory_space<vmem>>
      %dma_start3A_39 = arith.constant 128 : i32
      %dma_start3A_40 = tpu.memref_slice %arg6[%dma_start3A_39] : memref<200xi32, #tpu.memory_space<vmem>> -> memref<72xi32, #tpu.memory_space<vmem>>
      %dma_start3A_41 = arith.constant 0 : i32
      %dma_start3A_42 = arith.constant 0 : i32
      %dma_start3A_43 = tpu.memref_slice %arg4[%dma_start3A_41, %dma_start3A_42] : memref<1000000x300xf32, #tpu.memory_space<hbm>> -> memref<1000000x128xf32, #tpu.memory_space<hbm>>
      tpu.enqueue_indirect_dma source(%dma_start3A_43 : memref<1000000x128xf32, #tpu.memory_space<hbm>>) target(%dma_start3A_38 : memref<72x128xf32, #tpu.memory_space<vmem>>) offsets(%dma_start3A_40 : memref<72xi32, #tpu.memory_space<vmem>>) semaphore(%arg9 : memref<!tpu.dma_semaphore, #tpu.memory_space<semaphore_mem>>)
      %dma_start3A_44 = arith.constant 128 : i32
      %dma_start3A_45 = arith.constant 128 : i32
      %dma_start3A_46 = tpu.memref_slice %arg7[%dma_start3A_44, %dma_start3A_45] : memref<200x384xf32, #tpu.memory_space<vmem>> -> memref<72x128xf32, #tpu.memory_space<vmem>>
      %dma_start3A_47 = arith.constant 128 : i32
      %dma_start3A_48 = tpu.memref_slice %arg6[%dma_start3A_47] : memref<200xi32, #tpu.memory_space<vmem>> -> memref<72xi32, #tpu.memory_space<vmem>>
      %dma_start3A_49 = arith.constant 0 : i32
      %dma_start3A_50 = arith.constant 128 : i32
      %dma_start3A_51 = tpu.memref_slice %arg4[%dma_start3A_49, %dma_start3A_50] : memref<1000000x300xf32, #tpu.memory_space<hbm>> -> memref<1000000x128xf32, #tpu.memory_space<hbm>>
      tpu.enqueue_indirect_dma source(%dma_start3A_51 : memref<1000000x128xf32, #tpu.memory_space<hbm>>) target(%dma_start3A_46 : memref<72x128xf32, #tpu.memory_space<vmem>>) offsets(%dma_start3A_48 : memref<72xi32, #tpu.memory_space<vmem>>) semaphore(%arg9 : memref<!tpu.dma_semaphore, #tpu.memory_space<semaphore_mem>>)
      %dma_start3A_52 = arith.constant 128 : i32
      %dma_start3A_53 = arith.constant 256 : i32
      %dma_start3A_54 = tpu.memref_slice %arg7[%dma_start3A_52, %dma_start3A_53] : memref<200x384xf32, #tpu.memory_space<vmem>> -> memref<72x128xf32, #tpu.memory_space<vmem>>
      %dma_start3A_55 = arith.constant 128 : i32
      %dma_start3A_56 = tpu.memref_slice %arg6[%dma_start3A_55] : memref<200xi32, #tpu.memory_space<vmem>> -> memref<72xi32, #tpu.memory_space<vmem>>
      %dma_start3A_57 = arith.constant 0 : i32
      %dma_start3A_58 = tpu.memref_slice %arg4[%dma_start3A_57, %multiple_of3A] : memref<1000000x300xf32, #tpu.memory_space<hbm>> -> memref<1000000x128xf32, #tpu.memory_space<hbm>>
      tpu.enqueue_indirect_dma source(%dma_start3A_58 : memref<1000000x128xf32, #tpu.memory_space<hbm>>) target(%dma_start3A_54 : memref<72x128xf32, #tpu.memory_space<vmem>>) offsets(%dma_start3A_56 : memref<72xi32, #tpu.memory_space<vmem>>) semaphore(%arg9 : memref<!tpu.dma_semaphore, #tpu.memory_space<semaphore_mem>>)
      %dma_wait3A = arith.constant 0 : i32
      %dma_wait3A_59 = arith.constant 0 : i32
      %dma_wait3A_60 = tpu.memref_slice %arg7[%dma_wait3A, %dma_wait3A_59] : memref<200x384xf32, #tpu.memory_space<vmem>> -> memref<128x128xf32, #tpu.memory_space<vmem>>
      %dma_wait3A_61 = arith.constant 0 : i32
      %dma_wait3A_62 = tpu.memref_slice %arg6[%dma_wait3A_61] : memref<200xi32, #tpu.memory_space<vmem>> -> memref<128xi32, #tpu.memory_space<vmem>>
      %dma_wait3A_63 = arith.constant 0 : i32
      %dma_wait3A_64 = arith.constant 0 : i32
      %dma_wait3A_65 = tpu.memref_slice %arg4[%dma_wait3A_63, %dma_wait3A_64] : memref<1000000x300xf32, #tpu.memory_space<hbm>> -> memref<1000000x128xf32, #tpu.memory_space<hbm>>
      tpu.wait_indirect_dma semaphore(%arg9 : memref<!tpu.dma_semaphore, #tpu.memory_space<semaphore_mem>>) src(%dma_wait3A_65 : memref<1000000x128xf32, #tpu.memory_space<hbm>>) dst(%dma_wait3A_60 : memref<128x128xf32, #tpu.memory_space<vmem>>)
      %dma_wait3A_66 = arith.constant 0 : i32
      %dma_wait3A_67 = arith.constant 128 : i32
      %dma_wait3A_68 = tpu.memref_slice %arg7[%dma_wait3A_66, %dma_wait3A_67] : memref<200x384xf32, #tpu.memory_space<vmem>> -> memref<128x128xf32, #tpu.memory_space<vmem>>
      %dma_wait3A_69 = arith.constant 0 : i32
      %dma_wait3A_70 = tpu.memref_slice %arg6[%dma_wait3A_69] : memref<200xi32, #tpu.memory_space<vmem>> -> memref<128xi32, #tpu.memory_space<vmem>>
      %dma_wait3A_71 = arith.constant 0 : i32
      %dma_wait3A_72 = arith.constant 128 : i32
      %dma_wait3A_73 = tpu.memref_slice %arg4[%dma_wait3A_71, %dma_wait3A_72] : memref<1000000x300xf32, #tpu.memory_space<hbm>> -> memref<1000000x128xf32, #tpu.memory_space<hbm>>
      tpu.wait_indirect_dma semaphore(%arg9 : memref<!tpu.dma_semaphore, #tpu.memory_space<semaphore_mem>>) src(%dma_wait3A_73 : memref<1000000x128xf32, #tpu.memory_space<hbm>>) dst(%dma_wait3A_68 : memref<128x128xf32, #tpu.memory_space<vmem>>)
      %dma_wait3A_74 = arith.constant 0 : i32
      %dma_wait3A_75 = arith.constant 256 : i32
      %dma_wait3A_76 = tpu.memref_slice %arg7[%dma_wait3A_74, %dma_wait3A_75] : memref<200x384xf32, #tpu.memory_space<vmem>> -> memref<128x128xf32, #tpu.memory_space<vmem>>
      %dma_wait3A_77 = arith.constant 0 : i32
      %dma_wait3A_78 = tpu.memref_slice %arg6[%dma_wait3A_77] : memref<200xi32, #tpu.memory_space<vmem>> -> memref<128xi32, #tpu.memory_space<vmem>>
      %dma_wait3A_79 = arith.constant 0 : i32
      %dma_wait3A_80 = tpu.memref_slice %arg4[%dma_wait3A_79, %multiple_of3A] : memref<1000000x300xf32, #tpu.memory_space<hbm>> -> memref<1000000x128xf32, #tpu.memory_space<hbm>>
      tpu.wait_indirect_dma semaphore(%arg9 : memref<!tpu.dma_semaphore, #tpu.memory_space<semaphore_mem>>) src(%dma_wait3A_80 : memref<1000000x128xf32, #tpu.memory_space<hbm>>) dst(%dma_wait3A_76 : memref<128x128xf32, #tpu.memory_space<vmem>>)
      %dma_wait3A_81 = arith.constant 128 : i32
      %dma_wait3A_82 = arith.constant 0 : i32
      %dma_wait3A_83 = tpu.memref_slice %arg7[%dma_wait3A_81, %dma_wait3A_82] : memref<200x384xf32, #tpu.memory_space<vmem>> -> memref<72x128xf32, #tpu.memory_space<vmem>>
      %dma_wait3A_84 = arith.constant 128 : i32
      %dma_wait3A_85 = tpu.memref_slice %arg6[%dma_wait3A_84] : memref<200xi32, #tpu.memory_space<vmem>> -> memref<72xi32, #tpu.memory_space<vmem>>
      %dma_wait3A_86 = arith.constant 0 : i32
      %dma_wait3A_87 = arith.constant 0 : i32
      %dma_wait3A_88 = tpu.memref_slice %arg4[%dma_wait3A_86, %dma_wait3A_87] : memref<1000000x300xf32, #tpu.memory_space<hbm>> -> memref<1000000x128xf32, #tpu.memory_space<hbm>>
      tpu.wait_indirect_dma semaphore(%arg9 : memref<!tpu.dma_semaphore, #tpu.memory_space<semaphore_mem>>) src(%dma_wait3A_88 : memref<1000000x128xf32, #tpu.memory_space<hbm>>) dst(%dma_wait3A_83 : memref<72x128xf32, #tpu.memory_space<vmem>>)
      %dma_wait3A_89 = arith.constant 128 : i32
      %dma_wait3A_90 = arith.constant 128 : i32
      %dma_wait3A_91 = tpu.memref_slice %arg7[%dma_wait3A_89, %dma_wait3A_90] : memref<200x384xf32, #tpu.memory_space<vmem>> -> memref<72x128xf32, #tpu.memory_space<vmem>>
      %dma_wait3A_92 = arith.constant 128 : i32
      %dma_wait3A_93 = tpu.memref_slice %arg6[%dma_wait3A_92] : memref<200xi32, #tpu.memory_space<vmem>> -> memref<72xi32, #tpu.memory_space<vmem>>
      %dma_wait3A_94 = arith.constant 0 : i32
      %dma_wait3A_95 = arith.constant 128 : i32
      %dma_wait3A_96 = tpu.memref_slice %arg4[%dma_wait3A_94, %dma_wait3A_95] : memref<1000000x300xf32, #tpu.memory_space<hbm>> -> memref<1000000x128xf32, #tpu.memory_space<hbm>>
      tpu.wait_indirect_dma semaphore(%arg9 : memref<!tpu.dma_semaphore, #tpu.memory_space<semaphore_mem>>) src(%dma_wait3A_96 : memref<1000000x128xf32, #tpu.memory_space<hbm>>) dst(%dma_wait3A_91 : memref<72x128xf32, #tpu.memory_space<vmem>>)
      %dma_wait3A_97 = arith.constant 128 : i32
      %dma_wait3A_98 = arith.constant 256 : i32
      %dma_wait3A_99 = tpu.memref_slice %arg7[%dma_wait3A_97, %dma_wait3A_98] : memref<200x384xf32, #tpu.memory_space<vmem>> -> memref<72x128xf32, #tpu.memory_space<vmem>>
      %dma_wait3A_100 = arith.constant 128 : i32
      %dma_wait3A_101 = tpu.memref_slice %arg6[%dma_wait3A_100] : memref<200xi32, #tpu.memory_space<vmem>> -> memref<72xi32, #tpu.memory_space<vmem>>
      %dma_wait3A_102 = arith.constant 0 : i32
      %dma_wait3A_103 = tpu.memref_slice %arg4[%dma_wait3A_102, %multiple_of3A] : memref<1000000x300xf32, #tpu.memory_space<hbm>> -> memref<1000000x128xf32, #tpu.memory_space<hbm>>
      tpu.wait_indirect_dma semaphore(%arg9 : memref<!tpu.dma_semaphore, #tpu.memory_space<semaphore_mem>>) src(%dma_wait3A_103 : memref<1000000x128xf32, #tpu.memory_space<hbm>>) dst(%dma_wait3A_99 : memref<72x128xf32, #tpu.memory_space<vmem>>)
      %broadcast_in_dim3A = vector.broadcast %scan3A_12 : i32 to vector<16xi32>
      %gather3A = tpu.vector_load_idx %arg8[%broadcast_in_dim3A] : memref<32xi32, #tpu.memory_space<vmem>>[vector<16xi32>], vector<16xi32>,
      %slice3A_104 = vector.extract_strided_slice %gather3A {offsets = [0], sizes = [1], strides = [1]} : vector<16xi32> to vector<1xi32>
      %squeeze3A_105 = vector.extract %slice3A_104[0] : i32 from vector<1xi32>
      %broadcast_in_dim3A_106 = arith.constant 0.000000e+00 : f32
      %broadcast_in_dim3A_107 = vector.broadcast %broadcast_in_dim3A_106 : f32 to vector<16xf32>
      %while3A = arith.constant 0 : i32
      %while3A_108 = arith.constant 200 : i32
      %while3A_109 = arith.subi %while3A_108, %squeeze3A_105 : i32
      %while3A_110 = arith.addi %squeeze3A_105, %while3A_109 : i32
      %while3A_111 = arith.constant 1 : i32
      %while3A_112 = arith.divsi %while3A_109, %while3A_111 : i32
      %while3A_113 = arith.muli %while3A_112, %while3A_111 : i32
      %while3A_114 = arith.addi %squeeze3A_105, %while3A_113 : i32
      %while3A_115 = arith.constant 1 : i32
      scf.for %while3A_197 = %squeeze3A_105 to %while3A_114 step %while3A_115  : i32 {
        %swap3A = arith.index_cast %while3A_197 : i32 to index
        %swap3A_198 = arith.constant 0 : index
        %swap3A_199 = tpu.vector_load %arg7[%swap3A, %swap3A_198] {strides = array<i32>} : memref<200x384xf32, #tpu.memory_space<vmem>>, vector<16xf32>,
        tpu.vector_store %arg7[%swap3A, %swap3A_198], %broadcast_in_dim3A_107 {strides = array<i32>} : memref<200x384xf32, #tpu.memory_space<vmem>>, vector<16xf32>,
        %swap3A_200 = arith.index_cast %while3A_197 : i32 to index
        %swap3A_201 = arith.constant 16 : index
        %swap3A_202 = tpu.vector_load %arg7[%swap3A_200, %swap3A_201] {strides = array<i32>} : memref<200x384xf32, #tpu.memory_space<vmem>>, vector<16xf32>,
        tpu.vector_store %arg7[%swap3A_200, %swap3A_201], %broadcast_in_dim3A_107 {strides = array<i32>} : memref<200x384xf32, #tpu.memory_space<vmem>>, vector<16xf32>,
        %swap3A_203 = arith.index_cast %while3A_197 : i32 to index
        %swap3A_204 = arith.constant 32 : index
        %swap3A_205 = tpu.vector_load %arg7[%swap3A_203, %swap3A_204] {strides = array<i32>} : memref<200x384xf32, #tpu.memory_space<vmem>>, vector<16xf32>,
        tpu.vector_store %arg7[%swap3A_203, %swap3A_204], %broadcast_in_dim3A_107 {strides = array<i32>} : memref<200x384xf32, #tpu.memory_space<vmem>>, vector<16xf32>,
        %swap3A_206 = arith.index_cast %while3A_197 : i32 to index
        %swap3A_207 = arith.constant 48 : index
        %swap3A_208 = tpu.vector_load %arg7[%swap3A_206, %swap3A_207] {strides = array<i32>} : memref<200x384xf32, #tpu.memory_space<vmem>>, vector<16xf32>,
        tpu.vector_store %arg7[%swap3A_206, %swap3A_207], %broadcast_in_dim3A_107 {strides = array<i32>} : memref<200x384xf32, #tpu.memory_space<vmem>>, vector<16xf32>,
        %swap3A_209 = arith.index_cast %while3A_197 : i32 to index
        %swap3A_210 = arith.constant 64 : index
        %swap3A_211 = tpu.vector_load %arg7[%swap3A_209, %swap3A_210] {strides = array<i32>} : memref<200x384xf32, #tpu.memory_space<vmem>>, vector<16xf32>,
        tpu.vector_store %arg7[%swap3A_209, %swap3A_210], %broadcast_in_dim3A_107 {strides = array<i32>} : memref<200x384xf32, #tpu.memory_space<vmem>>, vector<16xf32>,
        %swap3A_212 = arith.index_cast %while3A_197 : i32 to index
        %swap3A_213 = arith.constant 80 : index
        %swap3A_214 = tpu.vector_load %arg7[%swap3A_212, %swap3A_213] {strides = array<i32>} : memref<200x384xf32, #tpu.memory_space<vmem>>, vector<16xf32>,
        tpu.vector_store %arg7[%swap3A_212, %swap3A_213], %broadcast_in_dim3A_107 {strides = array<i32>} : memref<200x384xf32, #tpu.memory_space<vmem>>, vector<16xf32>,
        %swap3A_215 = arith.index_cast %while3A_197 : i32 to index
        %swap3A_216 = arith.constant 96 : index
        %swap3A_217 = tpu.vector_load %arg7[%swap3A_215, %swap3A_216] {strides = array<i32>} : memref<200x384xf32, #tpu.memory_space<vmem>>, vector<16xf32>,
        tpu.vector_store %arg7[%swap3A_215, %swap3A_216], %broadcast_in_dim3A_107 {strides = array<i32>} : memref<200x384xf32, #tpu.memory_space<vmem>>, vector<16xf32>,
        %swap3A_218 = arith.index_cast %while3A_197 : i32 to index
        %swap3A_219 = arith.constant 112 : index
        %swap3A_220 = tpu.vector_load %arg7[%swap3A_218, %swap3A_219] {strides = array<i32>} : memref<200x384xf32, #tpu.memory_space<vmem>>, vector<16xf32>,
        tpu.vector_store %arg7[%swap3A_218, %swap3A_219], %broadcast_in_dim3A_107 {strides = array<i32>} : memref<200x384xf32, #tpu.memory_space<vmem>>, vector<16xf32>,
        %swap3A_221 = arith.index_cast %while3A_197 : i32 to index
        %swap3A_222 = arith.constant 128 : index
        %swap3A_223 = tpu.vector_load %arg7[%swap3A_221, %swap3A_222] {strides = array<i32>} : memref<200x384xf32, #tpu.memory_space<vmem>>, vector<16xf32>,
        tpu.vector_store %arg7[%swap3A_221, %swap3A_222], %broadcast_in_dim3A_107 {strides = array<i32>} : memref<200x384xf32, #tpu.memory_space<vmem>>, vector<16xf32>,
        %swap3A_224 = arith.index_cast %while3A_197 : i32 to index
        %swap3A_225 = arith.constant 144 : index
        %swap3A_226 = tpu.vector_load %arg7[%swap3A_224, %swap3A_225] {strides = array<i32>} : memref<200x384xf32, #tpu.memory_space<vmem>>, vector<16xf32>,
        tpu.vector_store %arg7[%swap3A_224, %swap3A_225], %broadcast_in_dim3A_107 {strides = array<i32>} : memref<200x384xf32, #tpu.memory_space<vmem>>, vector<16xf32>,
        %swap3A_227 = arith.index_cast %while3A_197 : i32 to index
        %swap3A_228 = arith.constant 160 : index
        %swap3A_229 = tpu.vector_load %arg7[%swap3A_227, %swap3A_228] {strides = array<i32>} : memref<200x384xf32, #tpu.memory_space<vmem>>, vector<16xf32>,
        tpu.vector_store %arg7[%swap3A_227, %swap3A_228], %broadcast_in_dim3A_107 {strides = array<i32>} : memref<200x384xf32, #tpu.memory_space<vmem>>, vector<16xf32>,
        %swap3A_230 = arith.index_cast %while3A_197 : i32 to index
        %swap3A_231 = arith.constant 176 : index
        %swap3A_232 = tpu.vector_load %arg7[%swap3A_230, %swap3A_231] {strides = array<i32>} : memref<200x384xf32, #tpu.memory_space<vmem>>, vector<16xf32>,
        tpu.vector_store %arg7[%swap3A_230, %swap3A_231], %broadcast_in_dim3A_107 {strides = array<i32>} : memref<200x384xf32, #tpu.memory_space<vmem>>, vector<16xf32>,
        %swap3A_233 = arith.index_cast %while3A_197 : i32 to index
        %swap3A_234 = arith.constant 192 : index
        %swap3A_235 = tpu.vector_load %arg7[%swap3A_233, %swap3A_234] {strides = array<i32>} : memref<200x384xf32, #tpu.memory_space<vmem>>, vector<16xf32>,
        tpu.vector_store %arg7[%swap3A_233, %swap3A_234], %broadcast_in_dim3A_107 {strides = array<i32>} : memref<200x384xf32, #tpu.memory_space<vmem>>, vector<16xf32>,
        %swap3A_236 = arith.index_cast %while3A_197 : i32 to index
        %swap3A_237 = arith.constant 208 : index
        %swap3A_238 = tpu.vector_load %arg7[%swap3A_236, %swap3A_237] {strides = array<i32>} : memref<200x384xf32, #tpu.memory_space<vmem>>, vector<16xf32>,
        tpu.vector_store %arg7[%swap3A_236, %swap3A_237], %broadcast_in_dim3A_107 {strides = array<i32>} : memref<200x384xf32, #tpu.memory_space<vmem>>, vector<16xf32>,
        %swap3A_239 = arith.index_cast %while3A_197 : i32 to index
        %swap3A_240 = arith.constant 224 : index
        %swap3A_241 = tpu.vector_load %arg7[%swap3A_239, %swap3A_240] {strides = array<i32>} : memref<200x384xf32, #tpu.memory_space<vmem>>, vector<16xf32>,
        tpu.vector_store %arg7[%swap3A_239, %swap3A_240], %broadcast_in_dim3A_107 {strides = array<i32>} : memref<200x384xf32, #tpu.memory_space<vmem>>, vector<16xf32>,
        %swap3A_242 = arith.index_cast %while3A_197 : i32 to index
        %swap3A_243 = arith.constant 240 : index
        %swap3A_244 = tpu.vector_load %arg7[%swap3A_242, %swap3A_243] {strides = array<i32>} : memref<200x384xf32, #tpu.memory_space<vmem>>, vector<16xf32>,
        tpu.vector_store %arg7[%swap3A_242, %swap3A_243], %broadcast_in_dim3A_107 {strides = array<i32>} : memref<200x384xf32, #tpu.memory_space<vmem>>, vector<16xf32>,
        %swap3A_245 = arith.index_cast %while3A_197 : i32 to index
        %swap3A_246 = arith.constant 256 : index
        %swap3A_247 = tpu.vector_load %arg7[%swap3A_245, %swap3A_246] {strides = array<i32>} : memref<200x384xf32, #tpu.memory_space<vmem>>, vector<16xf32>,
        tpu.vector_store %arg7[%swap3A_245, %swap3A_246], %broadcast_in_dim3A_107 {strides = array<i32>} : memref<200x384xf32, #tpu.memory_space<vmem>>, vector<16xf32>,
        %swap3A_248 = arith.index_cast %while3A_197 : i32 to index
        %swap3A_249 = arith.constant 272 : index
        %swap3A_250 = tpu.vector_load %arg7[%swap3A_248, %swap3A_249] {strides = array<i32>} : memref<200x384xf32, #tpu.memory_space<vmem>>, vector<16xf32>,
        tpu.vector_store %arg7[%swap3A_248, %swap3A_249], %broadcast_in_dim3A_107 {strides = array<i32>} : memref<200x384xf32, #tpu.memory_space<vmem>>, vector<16xf32>,
        %swap3A_251 = arith.index_cast %while3A_197 : i32 to index
        %swap3A_252 = arith.constant 284 : index
        %swap3A_253 = tpu.vector_load %arg7[%swap3A_251, %swap3A_252] {strides = array<i32>} : memref<200x384xf32, #tpu.memory_space<vmem>>, vector<16xf32>,
        tpu.vector_store %arg7[%swap3A_251, %swap3A_252], %broadcast_in_dim3A_107 {strides = array<i32>} : memref<200x384xf32, #tpu.memory_space<vmem>>, vector<16xf32>,
      }
      %while3A_116 = arith.constant 1 : i32
      scf.for %while3A_197 = %while3A_114 to %while3A_110 step %while3A_116  : i32 {
        %swap3A = arith.index_cast %while3A_197 : i32 to index
        %swap3A_198 = arith.constant 0 : index
        %swap3A_199 = tpu.vector_load %arg7[%swap3A, %swap3A_198] {strides = array<i32>} : memref<200x384xf32, #tpu.memory_space<vmem>>, vector<16xf32>,
        tpu.vector_store %arg7[%swap3A, %swap3A_198], %broadcast_in_dim3A_107 {strides = array<i32>} : memref<200x384xf32, #tpu.memory_space<vmem>>, vector<16xf32>,
        %swap3A_200 = arith.index_cast %while3A_197 : i32 to index
        %swap3A_201 = arith.constant 16 : index
        %swap3A_202 = tpu.vector_load %arg7[%swap3A_200, %swap3A_201] {strides = array<i32>} : memref<200x384xf32, #tpu.memory_space<vmem>>, vector<16xf32>,
        tpu.vector_store %arg7[%swap3A_200, %swap3A_201], %broadcast_in_dim3A_107 {strides = array<i32>} : memref<200x384xf32, #tpu.memory_space<vmem>>, vector<16xf32>,
        %swap3A_203 = arith.index_cast %while3A_197 : i32 to index
        %swap3A_204 = arith.constant 32 : index
        %swap3A_205 = tpu.vector_load %arg7[%swap3A_203, %swap3A_204] {strides = array<i32>} : memref<200x384xf32, #tpu.memory_space<vmem>>, vector<16xf32>,
        tpu.vector_store %arg7[%swap3A_203, %swap3A_204], %broadcast_in_dim3A_107 {strides = array<i32>} : memref<200x384xf32, #tpu.memory_space<vmem>>, vector<16xf32>,
        %swap3A_206 = arith.index_cast %while3A_197 : i32 to index
        %swap3A_207 = arith.constant 48 : index
        %swap3A_208 = tpu.vector_load %arg7[%swap3A_206, %swap3A_207] {strides = array<i32>} : memref<200x384xf32, #tpu.memory_space<vmem>>, vector<16xf32>,
        tpu.vector_store %arg7[%swap3A_206, %swap3A_207], %broadcast_in_dim3A_107 {strides = array<i32>} : memref<200x384xf32, #tpu.memory_space<vmem>>, vector<16xf32>,
        %swap3A_209 = arith.index_cast %while3A_197 : i32 to index
        %swap3A_210 = arith.constant 64 : index
        %swap3A_211 = tpu.vector_load %arg7[%swap3A_209, %swap3A_210] {strides = array<i32>} : memref<200x384xf32, #tpu.memory_space<vmem>>, vector<16xf32>,
        tpu.vector_store %arg7[%swap3A_209, %swap3A_210], %broadcast_in_dim3A_107 {strides = array<i32>} : memref<200x384xf32, #tpu.memory_space<vmem>>, vector<16xf32>,
        %swap3A_212 = arith.index_cast %while3A_197 : i32 to index
        %swap3A_213 = arith.constant 80 : index
        %swap3A_214 = tpu.vector_load %arg7[%swap3A_212, %swap3A_213] {strides = array<i32>} : memref<200x384xf32, #tpu.memory_space<vmem>>, vector<16xf32>,
        tpu.vector_store %arg7[%swap3A_212, %swap3A_213], %broadcast_in_dim3A_107 {strides = array<i32>} : memref<200x384xf32, #tpu.memory_space<vmem>>, vector<16xf32>,
        %swap3A_215 = arith.index_cast %while3A_197 : i32 to index
        %swap3A_216 = arith.constant 96 : index
        %swap3A_217 = tpu.vector_load %arg7[%swap3A_215, %swap3A_216] {strides = array<i32>} : memref<200x384xf32, #tpu.memory_space<vmem>>, vector<16xf32>,
        tpu.vector_store %arg7[%swap3A_215, %swap3A_216], %broadcast_in_dim3A_107 {strides = array<i32>} : memref<200x384xf32, #tpu.memory_space<vmem>>, vector<16xf32>,
        %swap3A_218 = arith.index_cast %while3A_197 : i32 to index
        %swap3A_219 = arith.constant 112 : index
        %swap3A_220 = tpu.vector_load %arg7[%swap3A_218, %swap3A_219] {strides = array<i32>} : memref<200x384xf32, #tpu.memory_space<vmem>>, vector<16xf32>,
        tpu.vector_store %arg7[%swap3A_218, %swap3A_219], %broadcast_in_dim3A_107 {strides = array<i32>} : memref<200x384xf32, #tpu.memory_space<vmem>>, vector<16xf32>,
        %swap3A_221 = arith.index_cast %while3A_197 : i32 to index
        %swap3A_222 = arith.constant 128 : index
        %swap3A_223 = tpu.vector_load %arg7[%swap3A_221, %swap3A_222] {strides = array<i32>} : memref<200x384xf32, #tpu.memory_space<vmem>>, vector<16xf32>,
        tpu.vector_store %arg7[%swap3A_221, %swap3A_222], %broadcast_in_dim3A_107 {strides = array<i32>} : memref<200x384xf32, #tpu.memory_space<vmem>>, vector<16xf32>,
        %swap3A_224 = arith.index_cast %while3A_197 : i32 to index
        %swap3A_225 = arith.constant 144 : index
        %swap3A_226 = tpu.vector_load %arg7[%swap3A_224, %swap3A_225] {strides = array<i32>} : memref<200x384xf32, #tpu.memory_space<vmem>>, vector<16xf32>,
        tpu.vector_store %arg7[%swap3A_224, %swap3A_225], %broadcast_in_dim3A_107 {strides = array<i32>} : memref<200x384xf32, #tpu.memory_space<vmem>>, vector<16xf32>,
        %swap3A_227 = arith.index_cast %while3A_197 : i32 to index
        %swap3A_228 = arith.constant 160 : index
        %swap3A_229 = tpu.vector_load %arg7[%swap3A_227, %swap3A_228] {strides = array<i32>} : memref<200x384xf32, #tpu.memory_space<vmem>>, vector<16xf32>,
        tpu.vector_store %arg7[%swap3A_227, %swap3A_228], %broadcast_in_dim3A_107 {strides = array<i32>} : memref<200x384xf32, #tpu.memory_space<vmem>>, vector<16xf32>,
        %swap3A_230 = arith.index_cast %while3A_197 : i32 to index
        %swap3A_231 = arith.constant 176 : index
        %swap3A_232 = tpu.vector_load %arg7[%swap3A_230, %swap3A_231] {strides = array<i32>} : memref<200x384xf32, #tpu.memory_space<vmem>>, vector<16xf32>,
        tpu.vector_store %arg7[%swap3A_230, %swap3A_231], %broadcast_in_dim3A_107 {strides = array<i32>} : memref<200x384xf32, #tpu.memory_space<vmem>>, vector<16xf32>,
        %swap3A_233 = arith.index_cast %while3A_197 : i32 to index
        %swap3A_234 = arith.constant 192 : index
        %swap3A_235 = tpu.vector_load %arg7[%swap3A_233, %swap3A_234] {strides = array<i32>} : memref<200x384xf32, #tpu.memory_space<vmem>>, vector<16xf32>,
        tpu.vector_store %arg7[%swap3A_233, %swap3A_234], %broadcast_in_dim3A_107 {strides = array<i32>} : memref<200x384xf32, #tpu.memory_space<vmem>>, vector<16xf32>,
        %swap3A_236 = arith.index_cast %while3A_197 : i32 to index
        %swap3A_237 = arith.constant 208 : index
        %swap3A_238 = tpu.vector_load %arg7[%swap3A_236, %swap3A_237] {strides = array<i32>} : memref<200x384xf32, #tpu.memory_space<vmem>>, vector<16xf32>,
        tpu.vector_store %arg7[%swap3A_236, %swap3A_237], %broadcast_in_dim3A_107 {strides = array<i32>} : memref<200x384xf32, #tpu.memory_space<vmem>>, vector<16xf32>,
        %swap3A_239 = arith.index_cast %while3A_197 : i32 to index
        %swap3A_240 = arith.constant 224 : index
        %swap3A_241 = tpu.vector_load %arg7[%swap3A_239, %swap3A_240] {strides = array<i32>} : memref<200x384xf32, #tpu.memory_space<vmem>>, vector<16xf32>,
        tpu.vector_store %arg7[%swap3A_239, %swap3A_240], %broadcast_in_dim3A_107 {strides = array<i32>} : memref<200x384xf32, #tpu.memory_space<vmem>>, vector<16xf32>,
        %swap3A_242 = arith.index_cast %while3A_197 : i32 to index
        %swap3A_243 = arith.constant 240 : index
        %swap3A_244 = tpu.vector_load %arg7[%swap3A_242, %swap3A_243] {strides = array<i32>} : memref<200x384xf32, #tpu.memory_space<vmem>>, vector<16xf32>,
        tpu.vector_store %arg7[%swap3A_242, %swap3A_243], %broadcast_in_dim3A_107 {strides = array<i32>} : memref<200x384xf32, #tpu.memory_space<vmem>>, vector<16xf32>,
        %swap3A_245 = arith.index_cast %while3A_197 : i32 to index
        %swap3A_246 = arith.constant 256 : index
        %swap3A_247 = tpu.vector_load %arg7[%swap3A_245, %swap3A_246] {strides = array<i32>} : memref<200x384xf32, #tpu.memory_space<vmem>>, vector<16xf32>,
        tpu.vector_store %arg7[%swap3A_245, %swap3A_246], %broadcast_in_dim3A_107 {strides = array<i32>} : memref<200x384xf32, #tpu.memory_space<vmem>>, vector<16xf32>,
        %swap3A_248 = arith.index_cast %while3A_197 : i32 to index
        %swap3A_249 = arith.constant 272 : index
        %swap3A_250 = tpu.vector_load %arg7[%swap3A_248, %swap3A_249] {strides = array<i32>} : memref<200x384xf32, #tpu.memory_space<vmem>>, vector<16xf32>,
        tpu.vector_store %arg7[%swap3A_248, %swap3A_249], %broadcast_in_dim3A_107 {strides = array<i32>} : memref<200x384xf32, #tpu.memory_space<vmem>>, vector<16xf32>,
        %swap3A_251 = arith.index_cast %while3A_197 : i32 to index
        %swap3A_252 = arith.constant 284 : index
        %swap3A_253 = tpu.vector_load %arg7[%swap3A_251, %swap3A_252] {strides = array<i32>} : memref<200x384xf32, #tpu.memory_space<vmem>>, vector<16xf32>,
        tpu.vector_store %arg7[%swap3A_251, %swap3A_252], %broadcast_in_dim3A_107 {strides = array<i32>} : memref<200x384xf32, #tpu.memory_space<vmem>>, vector<16xf32>,
      }
      %dma_start3A_117 = arith.constant 0 : i32
      %dma_start3A_118 = arith.constant 0 : i32
      %dma_start3A_119 = tpu.memref_slice %arg7[%dma_start3A_117, %dma_start3A_118] : memref<200x384xf32, #tpu.memory_space<vmem>> -> memref<200x128xf32, #tpu.memory_space<vmem>>
      %dma_start3A_120 = arith.constant 0 : i32
      %dma_start3A_121 = arith.constant 0 : i32
      %dma_start3A_122 = tpu.memref_slice %arg5[%add3A_13, %dma_start3A_120, %dma_start3A_121] : memref<1024x200x300xf32, #tpu.memory_space<hbm>> -> memref<1x200x128xf32, #tpu.memory_space<hbm>>
      %dma_start3A_123 = tpu.memref_squeeze %dma_start3A_122 : memref<1x200x128xf32, #tpu.memory_space<hbm>> -> memref<200x128xf32, #tpu.memory_space<hbm>>
      %dma_start3A_124 = arith.constant 0 : i32
      %dma_start3A_125 = arith.constant 0 : i32
      %dma_start3A_126 = tpu.memref_slice %arg5[%add3A_13, %dma_start3A_124, %dma_start3A_125] : memref<1024x200x300xf32, #tpu.memory_space<hbm>> -> memref<1x200x128xf32, #tpu.memory_space<hbm>>
      %dma_start3A_127 = tpu.memref_squeeze %dma_start3A_126 : memref<1x200x128xf32, #tpu.memory_space<hbm>> -> memref<200x128xf32, #tpu.memory_space<hbm>>
      %dma_start3A_128 = arith.constant 0 : i32
      %dma_start3A_129 = arith.constant 0 : i32
      %dma_start3A_130 = tpu.memref_slice %arg7[%dma_start3A_128, %dma_start3A_129] : memref<200x384xf32, #tpu.memory_space<vmem>> -> memref<200x128xf32, #tpu.memory_space<vmem>>
      tpu.enqueue_dma source(%dma_start3A_130 : memref<200x128xf32, #tpu.memory_space<vmem>>) target(%dma_start3A_127 : memref<200x128xf32, #tpu.memory_space<hbm>>) target_semaphore(%arg9 : memref<!tpu.dma_semaphore, #tpu.memory_space<semaphore_mem>>)
      %dma_start3A_131 = arith.constant 0 : i32
      %dma_start3A_132 = arith.constant 128 : i32
      %dma_start3A_133 = tpu.memref_slice %arg7[%dma_start3A_131, %dma_start3A_132] : memref<200x384xf32, #tpu.memory_space<vmem>> -> memref<200x128xf32, #tpu.memory_space<vmem>>
      %dma_start3A_134 = arith.constant 0 : i32
      %dma_start3A_135 = arith.constant 128 : i32
      %dma_start3A_136 = tpu.memref_slice %arg5[%add3A_13, %dma_start3A_134, %dma_start3A_135] : memref<1024x200x300xf32, #tpu.memory_space<hbm>> -> memref<1x200x128xf32, #tpu.memory_space<hbm>>
      %dma_start3A_137 = tpu.memref_squeeze %dma_start3A_136 : memref<1x200x128xf32, #tpu.memory_space<hbm>> -> memref<200x128xf32, #tpu.memory_space<hbm>>
      %dma_start3A_138 = arith.constant 0 : i32
      %dma_start3A_139 = arith.constant 128 : i32
      %dma_start3A_140 = tpu.memref_slice %arg5[%add3A_13, %dma_start3A_138, %dma_start3A_139] : memref<1024x200x300xf32, #tpu.memory_space<hbm>> -> memref<1x200x128xf32, #tpu.memory_space<hbm>>
      %dma_start3A_141 = tpu.memref_squeeze %dma_start3A_140 : memref<1x200x128xf32, #tpu.memory_space<hbm>> -> memref<200x128xf32, #tpu.memory_space<hbm>>
      %dma_start3A_142 = arith.constant 0 : i32
      %dma_start3A_143 = arith.constant 128 : i32
      %dma_start3A_144 = tpu.memref_slice %arg7[%dma_start3A_142, %dma_start3A_143] : memref<200x384xf32, #tpu.memory_space<vmem>> -> memref<200x128xf32, #tpu.memory_space<vmem>>
      tpu.enqueue_dma source(%dma_start3A_144 : memref<200x128xf32, #tpu.memory_space<vmem>>) target(%dma_start3A_141 : memref<200x128xf32, #tpu.memory_space<hbm>>) target_semaphore(%arg9 : memref<!tpu.dma_semaphore, #tpu.memory_space<semaphore_mem>>)
      %dma_start3A_145 = arith.constant 0 : i32
      %dma_start3A_146 = arith.constant 256 : i32
      %dma_start3A_147 = tpu.memref_slice %arg7[%dma_start3A_145, %dma_start3A_146] : memref<200x384xf32, #tpu.memory_space<vmem>> -> memref<200x128xf32, #tpu.memory_space<vmem>>
      %dma_start3A_148 = arith.constant 0 : i32
      %dma_start3A_149 = tpu.memref_slice %arg5[%add3A_13, %dma_start3A_148, %multiple_of3A] : memref<1024x200x300xf32, #tpu.memory_space<hbm>> -> memref<1x200x128xf32, #tpu.memory_space<hbm>>
      %dma_start3A_150 = tpu.memref_squeeze %dma_start3A_149 : memref<1x200x128xf32, #tpu.memory_space<hbm>> -> memref<200x128xf32, #tpu.memory_space<hbm>>
      %dma_start3A_151 = arith.constant 0 : i32
      %dma_start3A_152 = tpu.memref_slice %arg5[%add3A_13, %dma_start3A_151, %multiple_of3A] : memref<1024x200x300xf32, #tpu.memory_space<hbm>> -> memref<1x200x128xf32, #tpu.memory_space<hbm>>
      %dma_start3A_153 = tpu.memref_squeeze %dma_start3A_152 : memref<1x200x128xf32, #tpu.memory_space<hbm>> -> memref<200x128xf32, #tpu.memory_space<hbm>>
      %dma_start3A_154 = arith.constant 0 : i32
      %dma_start3A_155 = arith.constant 256 : i32
      %dma_start3A_156 = tpu.memref_slice %arg7[%dma_start3A_154, %dma_start3A_155] : memref<200x384xf32, #tpu.memory_space<vmem>> -> memref<200x128xf32, #tpu.memory_space<vmem>>
      tpu.enqueue_dma source(%dma_start3A_156 : memref<200x128xf32, #tpu.memory_space<vmem>>) target(%dma_start3A_153 : memref<200x128xf32, #tpu.memory_space<hbm>>) target_semaphore(%arg9 : memref<!tpu.dma_semaphore, #tpu.memory_space<semaphore_mem>>)
      %dma_wait3A_157 = arith.constant 0 : i32
      %dma_wait3A_158 = arith.constant 0 : i32
      %dma_wait3A_159 = tpu.memref_slice %arg7[%dma_wait3A_157, %dma_wait3A_158] : memref<200x384xf32, #tpu.memory_space<vmem>> -> memref<200x128xf32, #tpu.memory_space<vmem>>
      %dma_wait3A_160 = arith.constant 0 : i32
      %dma_wait3A_161 = arith.constant 0 : i32
      %dma_wait3A_162 = tpu.memref_slice %arg5[%add3A_13, %dma_wait3A_160, %dma_wait3A_161] : memref<1024x200x300xf32, #tpu.memory_space<hbm>> -> memref<1x200x128xf32, #tpu.memory_space<hbm>>
      %dma_wait3A_163 = tpu.memref_squeeze %dma_wait3A_162 : memref<1x200x128xf32, #tpu.memory_space<hbm>> -> memref<200x128xf32, #tpu.memory_space<hbm>>
      %dma_wait3A_164 = arith.constant 0 : i32
      %dma_wait3A_165 = arith.constant 0 : i32
      %dma_wait3A_166 = tpu.memref_slice %arg5[%add3A_13, %dma_wait3A_164, %dma_wait3A_165] : memref<1024x200x300xf32, #tpu.memory_space<hbm>> -> memref<1x200x128xf32, #tpu.memory_space<hbm>>
      %dma_wait3A_167 = tpu.memref_squeeze %dma_wait3A_166 : memref<1x200x128xf32, #tpu.memory_space<hbm>> -> memref<200x128xf32, #tpu.memory_space<hbm>>
      %dma_wait3A_168 = arith.constant 0 : i32
      %dma_wait3A_169 = arith.constant 0 : i32
      %dma_wait3A_170 = tpu.memref_slice %arg7[%dma_wait3A_168, %dma_wait3A_169] : memref<200x384xf32, #tpu.memory_space<vmem>> -> memref<200x128xf32, #tpu.memory_space<vmem>>
      tpu.wait_dma2 semaphore(%arg9 : memref<!tpu.dma_semaphore, #tpu.memory_space<semaphore_mem>>) src(%dma_wait3A_170 : memref<200x128xf32, #tpu.memory_space<vmem>>) dst(%dma_wait3A_167 : memref<200x128xf32, #tpu.memory_space<hbm>>)
      %dma_wait3A_171 = arith.constant 0 : i32
      %dma_wait3A_172 = arith.constant 128 : i32
      %dma_wait3A_173 = tpu.memref_slice %arg7[%dma_wait3A_171, %dma_wait3A_172] : memref<200x384xf32, #tpu.memory_space<vmem>> -> memref<200x128xf32, #tpu.memory_space<vmem>>
      %dma_wait3A_174 = arith.constant 0 : i32
      %dma_wait3A_175 = arith.constant 128 : i32
      %dma_wait3A_176 = tpu.memref_slice %arg5[%add3A_13, %dma_wait3A_174, %dma_wait3A_175] : memref<1024x200x300xf32, #tpu.memory_space<hbm>> -> memref<1x200x128xf32, #tpu.memory_space<hbm>>
      %dma_wait3A_177 = tpu.memref_squeeze %dma_wait3A_176 : memref<1x200x128xf32, #tpu.memory_space<hbm>> -> memref<200x128xf32, #tpu.memory_space<hbm>>
      %dma_wait3A_178 = arith.constant 0 : i32
      %dma_wait3A_179 = arith.constant 128 : i32
      %dma_wait3A_180 = tpu.memref_slice %arg5[%add3A_13, %dma_wait3A_178, %dma_wait3A_179] : memref<1024x200x300xf32, #tpu.memory_space<hbm>> -> memref<1x200x128xf32, #tpu.memory_space<hbm>>
      %dma_wait3A_181 = tpu.memref_squeeze %dma_wait3A_180 : memref<1x200x128xf32, #tpu.memory_space<hbm>> -> memref<200x128xf32, #tpu.memory_space<hbm>>
      %dma_wait3A_182 = arith.constant 0 : i32
      %dma_wait3A_183 = arith.constant 128 : i32
      %dma_wait3A_184 = tpu.memref_slice %arg7[%dma_wait3A_182, %dma_wait3A_183] : memref<200x384xf32, #tpu.memory_space<vmem>> -> memref<200x128xf32, #tpu.memory_space<vmem>>
      tpu.wait_dma2 semaphore(%arg9 : memref<!tpu.dma_semaphore, #tpu.memory_space<semaphore_mem>>) src(%dma_wait3A_184 : memref<200x128xf32, #tpu.memory_space<vmem>>) dst(%dma_wait3A_181 : memref<200x128xf32, #tpu.memory_space<hbm>>)
      %dma_wait3A_185 = arith.constant 0 : i32
      %dma_wait3A_186 = arith.constant 256 : i32
      %dma_wait3A_187 = tpu.memref_slice %arg7[%dma_wait3A_185, %dma_wait3A_186] : memref<200x384xf32, #tpu.memory_space<vmem>> -> memref<200x128xf32, #tpu.memory_space<vmem>>
      %dma_wait3A_188 = arith.constant 0 : i32
      %dma_wait3A_189 = tpu.memref_slice %arg5[%add3A_13, %dma_wait3A_188, %multiple_of3A] : memref<1024x200x300xf32, #tpu.memory_space<hbm>> -> memref<1x200x128xf32, #tpu.memory_space<hbm>>
      %dma_wait3A_190 = tpu.memref_squeeze %dma_wait3A_189 : memref<1x200x128xf32, #tpu.memory_space<hbm>> -> memref<200x128xf32, #tpu.memory_space<hbm>>
      %dma_wait3A_191 = arith.constant 0 : i32
      %dma_wait3A_192 = tpu.memref_slice %arg5[%add3A_13, %dma_wait3A_191, %multiple_of3A] : memref<1024x200x300xf32, #tpu.memory_space<hbm>> -> memref<1x200x128xf32, #tpu.memory_space<hbm>>
      %dma_wait3A_193 = tpu.memref_squeeze %dma_wait3A_192 : memref<1x200x128xf32, #tpu.memory_space<hbm>> -> memref<200x128xf32, #tpu.memory_space<hbm>>
      %dma_wait3A_194 = arith.constant 0 : i32
      %dma_wait3A_195 = arith.constant 256 : i32
      %dma_wait3A_196 = tpu.memref_slice %arg7[%dma_wait3A_194, %dma_wait3A_195] : memref<200x384xf32, #tpu.memory_space<vmem>> -> memref<200x128xf32, #tpu.memory_space<vmem>>
      tpu.wait_dma2 semaphore(%arg9 : memref<!tpu.dma_semaphore, #tpu.memory_space<semaphore_mem>>) src(%dma_wait3A_196 : memref<200x128xf32, #tpu.memory_space<vmem>>) dst(%dma_wait3A_193 : memref<200x128xf32, #tpu.memory_space<hbm>>)
    }
    %scan3A_11 = arith.constant 32 : i32
    return
  }
}

</mosaic_0001>

<sc_bundles>
// kernel: kernel.3.cloned.1.call-start
scs
__scs_entry_jumppad:
0x0: {  	(pc) =	sbr.rel $0x88, $3  }
0x1: {  	(tag) =	ssettag $0x0;
	lr =	simm.s32 $0x1  }
0x2: {  	[smem:$0x3F9E] =	sst lr;
	_ =	strace $0xD0000000  }
0x3: {  	_ = 	snop  }
0x4: {  	_ = 	snop  }
0x5: {  	_ = 	snop  }
0x6: {  	_ = 	snop  }
0x7: {  	_ = 	snop  }
__scs_overlays_trampoline_lowered:
0x8: {  	[smem:$0x3FAD] =	sst s0  }
0x9: {  	[smem:$0x3FAE] =	sst s1  }
0xa: {  	[smem:$0x3FAF] =	sst s2  }
0xb: {  	[smem:$0x3FB0] =	sst s3  }
0xc: {  	[smem:$0x3FB1] =	sst s4  }
0xd: {  	[smem:$0x3FB2] =	sst s5  }
0xe: {  	[smem:$0x3FB3] =	sst s6  }
0xf: {  	[smem:$0x3FB4] =	sst s7  }
0x10: {  	[smem:$0x3FB5] =	sst s8  }
0x11: {  	[smem:$0x3FB6] =	sst s9;
	s0 =	simm.s32 @!p0 $0x0  }
0x12: {  	s1 =	sld [smem:$0x3F9C];
	s0 =	simm.s32 @p0 $0x1  }
0x13: {  	[smem:$0x3FB7] =	sst s0;
	s0 =	simm.s32 @!p1 $0x0  }
0x14: {  	s2 =	sld [smem:$0x3F9B];
	s0 =	simm.s32 @p1 $0x1  }
0x15: {  	[smem:$0x3FB8] =	sst s0;
	s0 =	simm.s32 @!p2 $0x0  }
0x16: {  	s3 =	sld [smem:$0x3FDB];
	s0 =	simm.s32 @p2 $0x1  }
0x17: {  	s4 =	simm.s32 $0x1BF5;
	[smem:$0x3FBA] =	sst s0  }
0x18: {  	s0 =	sld [smem:$0x3F9D];
	_ =	swait.ge [sflag:s4], $0x0  }
0x19: {  	s7 =	sld [smem:$0x3F9E]  }
0x1a: {  	s8 =	sadd.s32 $0xFFFFE003, lr  }
0x1b: {  	s9 =	sadd.s32 $0xFFFFFEF7, lr;
	s5 =	simm.s32 $0xFFFFFFFF;
	p2 =	slt.u32 s8, $0xFFFFF086  }
0x1c: {  	p1 =	slt.u32 s9, $0xF7A;
	s5 =	simm.s32 @!p2 $0x0  }
0x1d: {  	s5 =	simm.s32 @p1 $0x1;
	p0 =	seq.s32 s7, s2  }
0x1e: {  	s7 =	smul.u32 @!p0 $0xF7A, s2;
	p2 =	seq.s32 @!p0 s5, $0x0  }
0x1f: {  	s9 =	smul.u32 $0xF7A, s1;
	s8 =	simm.s32 @!p0 $0x1BF5;
	p2 =	por !p2, p0  }
0x20: {  	[sflag:s8] =	ssyncset.s32 @!p0 $0xFFFFF086;
	s6 =	sadd.s32 @!p0 s3, s7;
	s7 =	simm.s32 @!p0 $0x108  }
0x21: {  	s3 =	sadd.s32 s3, s9;
	s6 =	sadd.s32 @!p0 $0x88, s6;
	s7 =	simm.s32 @p2 $0x1082  }
0x22: {  	[simem:s7], [sflag:s8] =	dma.local @!p0 [hbm:s6], $0xF7A  }
0x23: {  	s9 =	sor.u32 $0xD0000000, s2;
	s6 =	simm.s32 $0x108;
	_ =	swait.ge @!p0 [sflag:s8], $0x0  }
0x24: {  	s3 =	sadd.s32 $0x88, s3;
	s6 =	simm.s32 @!p1 $0x1082;
	[sflag:s4] =	ssyncset.s32 $0xFFFFF086  }
0x25: {  	[simem:s6], [sflag:s4] =	dma.local [hbm:s3], $0xF7A  }
0x26: {  	[smem:$0x3F9E] =	sst s1;
	(tag) =	ssettag s2;
	_ =	strace s9  }
0x27: {  	s1 =	sld [smem:$0x3FAE]  }
0x28: {  	s2 =	sld [smem:$0x3FAF]  }
0x29: {  	s4 =	sld [smem:$0x3FB1]  }
0x2a: {  	p0 =	seq.s32 s5, $0x0;
	s5 =	sld [smem:$0x3FB2]  }
0x2b: {  	s6 =	sld [smem:$0x3FB3]  }
0x2c: {  	s7 =	sld [smem:$0x3FB4]  }
0x2d: {  	s3 =	simm.s32 $0x108;
	s8 =	sld [smem:$0x3FB5]  }
0x2e: {  	s3 =	simm.s32 @!p0 $0x1082;
	s9 =	sld [smem:$0x3FB6]  }
0x2f: {  	lr =	sadd.s32 s0, s3;
	s0 =	sld [smem:$0x3FAD]  }
0x30: {  	s3 =	sld [smem:$0x3FB0]  }
0x31: {  	[smem:$0x3FB9] =	sst s10  }
0x32: {  	s10 =	sld [smem:$0x3FB7];
	_ =	sdelay $0x3  }
0x33: {  	p0 =	seq.s32 s10, $0x1;
	s10 =	sld [smem:$0x3FB9];
	_ =	sdelay $0x3  }
0x34: {  	[smem:$0x3FB9] =	sst s10  }
0x35: {  	s10 =	sld [smem:$0x3FB8];
	_ =	sdelay $0x3  }
0x36: {  	p1 =	seq.s32 s10, $0x1;
	s10 =	sld [smem:$0x3FB9];
	_ =	sdelay $0x3  }
0x37: {  	[smem:$0x3FB9] =	sst s10  }
0x38: {  	s10 =	sld [smem:$0x3FBA]  }
0x39: {  	_ = 	snop;
	(pc) =	sbr.ind lr, $3  }
0x3a: {  	_ = 	snop  }
0x3b: {  	_ = 	snop  }
0x3c: {  	p2 =	seq.s32 s10, $0x1;
	s10 =	sld [smem:$0x3FB9]  }
0x3d: {  	_ =	shalt  }
0x3e: {  	_ =	shalt  }
0x3f: {  	_ =	shalt  }
0x40: {  	_ =	shalt  }
0x41: {  	_ =	shalt  }
0x42: {  	_ =	shalt  }
0x43: {  	_ =	shalt  }
0x44: {  	_ =	shalt  }
0x45: {  	_ =	shalt  }
0x46: {  	_ =	shalt  }
0x47: {  	_ =	shalt  }
0x48: {  	_ =	shalt  }
0x49: {  	_ =	shalt  }
0x4a: {  	_ =	shalt  }
0x4b: {  	_ =	shalt  }
0x4c: {  	_ =	shalt  }
0x4d: {  	_ =	shalt  }
0x4e: {  	_ =	shalt  }
0x4f: {  	_ =	shalt  }
0x50: {  	_ =	shalt  }
0x51: {  	_ =	shalt  }
0x52: {  	_ =	shalt  }
0x53: {  	_ =	shalt  }
0x54: {  	_ =	shalt  }
0x55: {  	_ =	shalt  }
0x56: {  	_ =	shalt  }
0x57: {  	_ =	shalt  }
0x58: {  	_ =	shalt  }
0x59: {  	_ =	shalt  }
0x5a: {  	_ =	shalt  }
0x5b: {  	_ =	shalt  }
0x5c: {  	_ =	shalt  }
0x5d: {  	_ =	shalt  }
0x5e: {  	_ =	shalt  }
0x5f: {  	_ =	shalt  }
0x60: {  	_ =	shalt  }
0x61: {  	_ =	shalt  }
0x62: {  	_ =	shalt  }
0x63: {  	_ =	shalt  }
0x64: {  	_ =	shalt  }
0x65: {  	_ =	shalt  }
0x66: {  	_ =	shalt  }
0x67: {  	_ =	shalt  }
0x68: {  	_ =	shalt  }
0x69: {  	_ =	shalt  }
0x6a: {  	_ =	shalt  }
0x6b: {  	_ =	shalt  }
0x6c: {  	_ =	shalt  }
0x6d: {  	_ =	shalt  }
0x6e: {  	_ =	shalt  }
0x6f: {  	_ =	shalt  }
0x70: {  	_ =	shalt  }
0x71: {  	_ =	shalt  }
0x72: {  	_ =	shalt  }
0x73: {  	_ =	shalt  }
0x74: {  	_ =	shalt  }
0x75: {  	_ =	shalt  }
0x76: {  	_ =	shalt  }
0x77: {  	_ =	shalt  }
0x78: {  	_ =	shalt  }
0x79: {  	_ =	shalt  }
0x7a: {  	_ =	shalt  }
0x7b: {  	_ =	shalt  }
0x7c: {  	_ =	shalt  }
0x7d: {  	_ =	shalt  }
0x7e: {  	_ =	shalt  }
0x7f: {  	_ =	shalt  }
0x80: {  	_ =	shalt  }
0x81: {  	_ =	shalt  }
0x82: {  	_ =	shalt  }
0x83: {  	_ =	shalt  }
0x84: {  	_ =	shalt  }
0x85: {  	_ =	shalt  }
0x86: {  	_ =	shalt  }
0x87: {  	_ =	shalt  }
.Lfunc_end0:
.L_simem_size_0:
called_computation_lowered:
.L_overlay_start_0:
0x88: {  	s2 =	sld [smem:$0x3FD9]  }
0x89: {  	s3 =	sld [smem:$0x3FFE];
	_ =	sdelay $0x1  }
0x8a: {  	s1 =	srdreg.scid  }
0x8b: {  	s0 =	sand.u32 $0x1, s1  }
0x8c: {  	s17 =	sshll.u32 s0, $0xA;
	s2 =	sadd.s32 s3, s2  }
0x8d: {  	s2 =	sadd.s32 s2, s17  }
0x8e: {  	[smem:$0x3FC5] =	sst s2  }
0x8f: {  	_ = 	snop  }
0x90: {  	s2 =	sld [smem:$0x3FC8]  }
0x91: {  	s18 =	sld [smem:$0x3FD0];
	(tm) =	ssettm $0x1  }
0x92: {  	s4 =	sld [smem:$0x3FFB];
	_ =	sdelay $0x3  }
0x93: {  	_ =	strace s4  }
0x94: {  	s4 =	sld [smem:$0x3FFC];
	_ =	sdelay $0x3  }
0x95: {  	_ =	strace s4  }
0x96: {  	s4 =	sld [smem:$0x3FFD];
	_ =	sdelay $0x3  }
0x97: {  	_ =	strace s4  }
0x98: {  	_ =	strace $0x8FFFFFFF  }
0x99: {  	s19 =	sld [smem:$0x3FDB];
	_ =	sdelay $0x1  }
0x9a: {  	s5 =	simm.s32 $_scs_section_size  }
0x9b: {  	s6 =	simm.s32 $_size__tile_overlayer_lowered;
	s7 =	simm.s32 $_tile_overlayer_lowered  }
0x9c: {  	s22 =	simm.s32 $0x1BFF;
	s21 =	sshll.u32 s7, $0x1;
	s4 =	sadd.s32 s5, s19  }
0x9d: {  	s8 =	simm.s32 $0x0;
	s20 =	sshll.u32 s6, $0x1;
	s6 =	sadd.s32 s21, s4  }
0x9e: {  	[timem:s8], [sflag:s22] =	dma.local [hbm:s6], s20  }
0x9f: {  	_ =	swait.ge [sflag:s22], s20  }
0xa0: {  	s5 =	ssub.s32 $0x0, s20;
	[sflag:s22] =	ssyncset.done $0x0  }
0xa1: {  	[sflag:s22] =	ssyncadd.s32 s5;
	_ =	sdelay $0x1  }
0xa2: {  	s23 =	simm.s32 $0x1B8B  }
0xa3: {  	_ =	swait.ge [sflag:s23], $0x1  }
0xa4: {  	[sflag:s23] =	ssyncset.done $0x0  }
0xa5: {  	s25 =	simm.s32 $0x1B8E;
	s24 =	sld [smem:$0x3FFE];
	[sflag:s23] =	ssyncadd.s32 $0xFFFFFFFF  }
0xa6: {  	s26 =	simm.s32 $execute0_lowered;
	[smem:$0x3FD2] =	sst s25  }
0xa7: {  	s6 =	sshll.u32 s26, $0x1;
	_ =	strace $0x80000046;
	[dreg:$0x1] =	wrdreg $0xFFFFFFFF  }
0xa8: {  	s28 =	simm.s32 $_size_execute0_lowered;
	s4 =	sadd.s32 s4, s6;
	[dreg:$0x0] =	wrdreg $0x0  }
0xa9: {  	s6 =	sshll.u32 s28, $0x1;
	[dreg:$0x2] =	wrdreg s4  }
0xaa: {  	[dreg:$0x3] =	wrdreg s6  }
0xab: {  	[dreg:$0x4] =	wrdreg $0xC0  }
0xac: {  	_ =	task [dreg:s8], $0x5FFFF  }
0xad: {  	[dreg:$0x1] =	wrdreg $0xFFFFFFFF  }
0xae: {  	[dreg:$0x0] =	wrdreg $0x60  }
0xaf: {  	[dreg:$0x2] =	wrdreg s18  }
0xb0: {  	[dreg:$0x3] =	wrdreg s2  }
0xb1: {  	[dreg:$0x4] =	wrdreg s24  }
0xb2: {  	[dreg:$0x5] =	wrdreg $0x9  }
0xb3: {  	_ =	task.clear_ibuf [dreg:s8], $0x6FFFF;
	_ =	strace $0x90000046  }
0xb4: {  	s29 =	simm.s32 $0x9;
	_ =	strace $0x80000048  }
0xb5: {  	_ =	swait.ge [sflag:s29], $0x1  }
0xb6: {  	[sflag:s29] =	ssyncadd.s32 $0xFFFFFFFF  }
0xb7: {  	_ =	strace $0x90000048  }
0xb8: {  	_ =	sfence  }
0xb9: {  	s30 =	sld [smem:$0x0];
	_ =	sdelay $0x2  }
0xba: {  	s31 =	sshll.u32 s1, $0xD;
	s1 =	sshrl.u32 s1, $0x2  }
0xbb: {  	s3 =	sand.u32 $0x4000, s31;
	s1 =	sadd.s32 s1, s30  }
0xbc: {  	s0 =	sor.u32 s3, s0;
	s1 =	sshll.u32 s1, $0x11  }
0xbd: {  	s0 =	sor.u32 s1, s0  }
0xbe: {  	s0 =	sadd.s32 $0x8F2B, s0  }
0xbf: {  	[sflag:s0] =	ssyncadd.remote.s32 $0x1  }
0xc0: {  	_ =	sfence.sel $0xFFFF  }
0xc1: {  	[dreg:$0x0] =	wrdreg $0xFFFFFFFF;
	(pc) =	sbr.abs _section_cstart, $3  }
0xc2: {  	[dreg:$0x1] =	wrdreg $0xFFFFFFFF  }
0xc3: {  	_ =	task.clear_ibuf [dreg:s8], $0x2FFFF;
	_ =	strace $0x9FFFFFFF  }
0xc4: {  	(tm) =	ssettm $0x7FFFFFFF  }
0xc5: {  	_ =	shalt  }
tec
execute0_lowered:
.L_overlay_start_1:
0x0: {  	(tag) =	ssettag $0x1  }
0x1: {  	s25 =	rddreg [dreg:$0x0]  }
0x2: {  	s0 =	rddreg [dreg:$0x1]  }
0x3: {  	s1 =	rddreg [dreg:$0x2];
	s3 =	simm.s32 $0x0;
	s2 =	srdreg.scid  }
0x4: {  	s4 =	stileid.u32;
	s11 =	simm.s32 $0x2;
	s28 =	simm.s32 $0x10100  }
0x5: {  	s29 =	simm.s32 $0x10D00;
	s30 =	simm.s32 $0x11900;
	s31 =	simm.s32 $0x12500  }
0x6: {  	s9 =	simm.s32 $0xED00;
	s10 =	simm.s32 $0xF900;
	s12 =	simm.s32 $0x11100  }
0x7: {  	s13 =	simm.s32 $0x11D00;
	s14 =	simm.s32 $0x12900;
	s15 =	simm.s32 $0x1  }
0x8: {  	s17 =	simm.s32 $0x0;
	[smem:$0x7FF] =	sst s3;
	s2 =	sand.u32 $0x1, s2  }
0x9: {  	s5 =	sshll.u32 s4, $0x6;
	s4 =	sadd.s32 $0x400, s1;
	s6 =	sadd.s32 $0x2DC7000, s1  }
0xa: {  	_ =	strace $0x80000047;
	s7 =	ssub.s32 $0x2, s2;
	s2 =	sshll.u32 s2, $0x5  }
.Ltmp0:
0xb: {  	s8 =	sshrl.u32 s7, $0x1;
	s5 =	sor.u32 s2, s5;
	(pc) =	sbr.rel .LBB2_1-.Ltmp0, $4  }
0xc: {  	s2 =	simm.s32 $0xD500;
	s23 =	ssub.s32 s7, s8;
	s24 =	sshrl.u32 s5, $0x3  }
0xd: {  	v2 =	vlaneseq.u32;
	s8 =	sadd.s32 $0x480, s1;
	s7 =	simm.s32 $0xE100;
	s0 =	sadd.s32 s0, s24  }
0xe: {  	vm0 =	vmmov $0xff;
	v3 =	vimm.f32 $0.0e+00;
	v1 =	vshrl.u32 v2, $0x3;
	s1 =	simm.s32 $0x10500;
	s26 =	smax.u32 s23, $0x1;
	[dreg:$0x4] =	wrdreg s0  }
0xf: {  	v0 =	vand.u32 $0x7, v2;
	v2 =	vor.u32 $0x8, v2;
	v1 =	vmul.u32 $0x8, v1;
	[dreg:$0x5] =	wrdreg s26;
	s26 =	simm.s32 $0x12D00;
	s0 =	simm.s32 $0xC900  }
.LBB2_17:
0x10: {  	s17 =	rddreg [dreg:$0x6]  }
0x11: {  	s16 =	rddreg [dreg:$0x5];
	s17 =	sadd.s32 $0x1, s17  }
0x12: {  	p0 =	sne.s32 s17, s16  }
.Ltmp1:
0x13: {  	_ = 	snop;
	(pc) =	sbr.rel @!p0 .LBB2_18-.Ltmp1, $1  }
0x14: {  	_ =	sdelay $0x3  }
.LBB2_1:
0x15: {  	[dreg:$0x6] =	wrdreg s17  }
0x16: {  	s16 =	rddreg [dreg:$0x4]  }
0x17: {  	[tilespmem:s26], [sflag:$0x2] =	stream.linear.gather [hbm4b:s16+s3], $0x20, $0x38;
	[tilespmem:$0x12D80] =	vst v63  }
0x18: {  	_ =	swait.ge [sflag:s11], $0x20  }
0x19: {  	[sflag:s11] =	ssyncset.done $0x0  }
0x1a: {  	[sflag:s11] =	ssyncadd.s32 $0xFFFFFFE0  }
0x1b: {  	v4 =	vld [tilespmem:$0x12D00];
	_ =	sdelay $0x4  }
0x1c: {  	(v2sf) =	vpush v4, $0x0;
	_ =	sdelay $0xe  }
0x1d: {  	s22 =	spop (v2sf)  }
0x1e: {  	s23 =	sshra.s32 s22, $0x1F  }
0x1f: {  	s16 =	sand.u32 s23, s22  }
0x20: {  	s16 =	sshll.u32 s16, $0x3  }
0x21: {  	s16 =	sand.u32 $0xFFFFFC00, s16  }
0x22: {  	s16 =	sadd.s32 $0x800, s16  }
0x23: {  	s24 =	sshrl.u32 s16, $0x3  }
0x24: {  	s18 =	simm.s32 $0x0;
	s17 =	sadd.s32 s4, s24  }
.LBB2_2:
0x25: {  	s19 =	sor.u32 s5, s18;
	s20 =	sshll.u32 s18, $0x4  }
0x26: {  	s21 =	sshll.u32 s19, $0x5;
	s20 =	sand.u32 $0x70, s20  }
0x27: {  	s21 =	sand.u32 $0x7F00, s21;
	s20 =	sadd.s32 s25, s20  }
0x28: {  	s24 =	simm.s32 $0x80;
	s22 =	simm.s32 $0x400;
	s20 =	sadd.s32 s21, s20  }
0x29: {  	[tilespmem:s3], [sflag:$0x2] =	stream.strided.gather [hbm4b:s20+s24], $0x100, s22, s24, $0x38;
	[tilespmem:$0x12D80] =	vst v63  }
0x2a: {  	_ =	swait.ge [sflag:s11], $0x100  }
0x2b: {  	[sflag:s11] =	ssyncset.done $0x0  }
0x2c: {  	[sflag:s11] =	ssyncadd.s32 $0xFFFFFF00  }
0x2d: {  	v4 =	vld [tilespmem:$0x0];
	_ =	sdelay $0x4  }
0x2e: {  	v5 =	vshrl.u32 v4, $0x3  }
0x2f: {  	v5 =	vmul.u32 $0x18, v5  }
0x30: {  	v4 =	vand.u32 $0x7, v4  }
0x31: {  	v4 =	vor.u32 v4, v5  }
0x32: {  	v5 =	vperm.xlane v4, v0;
	_ =	sdelay $0x1  }
0x33: {  	v4 =	vperm.xlane v4, v2;
	v5 =	vadd.s32 v1, v5;
	_ =	sdelay $0x1  }
0x34: {  	v4 =	vadd.s32 v1, v4;
	_ =	sdelay $0x1  }
0x35: {  	s23 =	simm.s32 $0x100  }
0x36: {  	[tilespmem:s23], [sflag:$0x1] =	stream.indirect_vreg.gather [hbm4b:s4+s3], $0x80, v5, vm0, $0xb8;
	[tilespmem:$0x12D80] =	vst v63  }
0x37: {  	s24 =	simm.s32 $0xD00  }
0x38: {  	[tilespmem:s24], [sflag:$0x1] =	stream.indirect_vreg.gather [hbm4b:s4+s3], $0x80, v4, vm0, $0xb8;
	[tilespmem:$0x12D80] =	vst v63  }
0x39: {  	v4 =	vld [tilespmem:$0x10];
	_ =	sdelay $0x4  }
0x3a: {  	v5 =	vshrl.u32 v4, $0x3  }
0x3b: {  	v5 =	vmul.u32 $0x18, v5  }
0x3c: {  	v4 =	vand.u32 $0x7, v4  }
0x3d: {  	v4 =	vor.u32 v4, v5  }
0x3e: {  	v5 =	vperm.xlane v4, v0;
	_ =	sdelay $0x1  }
0x3f: {  	v4 =	vperm.xlane v4, v2;
	v5 =	vadd.s32 v1, v5;
	_ =	sdelay $0x1  }
0x40: {  	v4 =	vadd.s32 v1, v4;
	_ =	sdelay $0x1  }
0x41: {  	s21 =	simm.s32 $0x1900  }
0x42: {  	[tilespmem:s21], [sflag:$0x1] =	stream.indirect_vreg.gather [hbm4b:s4+s3], $0x80, v5, vm0, $0xb8;
	[tilespmem:$0x12D80] =	vst v63  }
0x43: {  	s22 =	simm.s32 $0x2500  }
0x44: {  	[tilespmem:s22], [sflag:$0x1] =	stream.indirect_vreg.gather [hbm4b:s4+s3], $0x80, v4, vm0, $0xb8;
	[tilespmem:$0x12D80] =	vst v63  }
0x45: {  	v4 =	vld [tilespmem:$0x20];
	_ =	sdelay $0x4  }
0x46: {  	v5 =	vshrl.u32 v4, $0x3  }
0x47: {  	v5 =	vmul.u32 $0x18, v5  }
0x48: {  	v4 =	vand.u32 $0x7, v4  }
0x49: {  	v4 =	vor.u32 v4, v5  }
0x4a: {  	v5 =	vperm.xlane v4, v0;
	_ =	sdelay $0x1  }
0x4b: {  	v4 =	vperm.xlane v4, v2;
	v5 =	vadd.s32 v1, v5;
	_ =	sdelay $0x1  }
0x4c: {  	v4 =	vadd.s32 v1, v4;
	_ =	sdelay $0x1  }
0x4d: {  	s23 =	simm.s32 $0x3100  }
0x4e: {  	[tilespmem:s23], [sflag:$0x1] =	stream.indirect_vreg.gather [hbm4b:s4+s3], $0x80, v5, vm0, $0xb8;
	[tilespmem:$0x12D80] =	vst v63  }
0x4f: {  	s24 =	simm.s32 $0x3D00  }
0x50: {  	[tilespmem:s24], [sflag:$0x1] =	stream.indirect_vreg.gather [hbm4b:s4+s3], $0x80, v4, vm0, $0xb8;
	[tilespmem:$0x12D80] =	vst v63  }
0x51: {  	v4 =	vld [tilespmem:$0x30];
	_ =	sdelay $0x4  }
0x52: {  	v5 =	vshrl.u32 v4, $0x3  }
0x53: {  	v5 =	vmul.u32 $0x18, v5  }
0x54: {  	v4 =	vand.u32 $0x7, v4  }
0x55: {  	v4 =	vor.u32 v4, v5  }
0x56: {  	v5 =	vperm.xlane v4, v0;
	_ =	sdelay $0x1  }
0x57: {  	v4 =	vperm.xlane v4, v2;
	v5 =	vadd.s32 v1, v5;
	_ =	sdelay $0x1  }
0x58: {  	v4 =	vadd.s32 v1, v4;
	_ =	sdelay $0x1  }
0x59: {  	s21 =	simm.s32 $0x4900  }
0x5a: {  	[tilespmem:s21], [sflag:$0x1] =	stream.indirect_vreg.gather [hbm4b:s4+s3], $0x80, v5, vm0, $0xb8;
	[tilespmem:$0x12D80] =	vst v63  }
0x5b: {  	s22 =	simm.s32 $0x5500  }
0x5c: {  	[tilespmem:s22], [sflag:$0x1] =	stream.indirect_vreg.gather [hbm4b:s4+s3], $0x80, v4, vm0, $0xb8;
	[tilespmem:$0x12D80] =	vst v63  }
0x5d: {  	v4 =	vld [tilespmem:$0x40];
	_ =	sdelay $0x4  }
0x5e: {  	v5 =	vshrl.u32 v4, $0x3  }
0x5f: {  	v5 =	vmul.u32 $0x18, v5  }
0x60: {  	v4 =	vand.u32 $0x7, v4  }
0x61: {  	v4 =	vor.u32 v4, v5  }
0x62: {  	v5 =	vperm.xlane v4, v0;
	_ =	sdelay $0x1  }
0x63: {  	v4 =	vperm.xlane v4, v2;
	v5 =	vadd.s32 v1, v5;
	_ =	sdelay $0x1  }
0x64: {  	v4 =	vadd.s32 v1, v4;
	_ =	sdelay $0x1  }
0x65: {  	s23 =	simm.s32 $0x6100  }
0x66: {  	[tilespmem:s23], [sflag:$0x1] =	stream.indirect_vreg.gather [hbm4b:s4+s3], $0x80, v5, vm0, $0xb8;
	[tilespmem:$0x12D80] =	vst v63  }
0x67: {  	s24 =	simm.s32 $0x6D00  }
0x68: {  	[tilespmem:s24], [sflag:$0x1] =	stream.indirect_vreg.gather [hbm4b:s4+s3], $0x80, v4, vm0, $0xb8;
	[tilespmem:$0x12D80] =	vst v63  }
0x69: {  	v4 =	vld [tilespmem:$0x50];
	_ =	sdelay $0x4  }
0x6a: {  	v5 =	vshrl.u32 v4, $0x3  }
0x6b: {  	v5 =	vmul.u32 $0x18, v5  }
0x6c: {  	v4 =	vand.u32 $0x7, v4  }
0x6d: {  	v4 =	vor.u32 v4, v5  }
0x6e: {  	v5 =	vperm.xlane v4, v0;
	_ =	sdelay $0x1  }
0x6f: {  	v4 =	vperm.xlane v4, v2;
	v5 =	vadd.s32 v1, v5;
	_ =	sdelay $0x1  }
0x70: {  	v4 =	vadd.s32 v1, v4;
	_ =	sdelay $0x1  }
0x71: {  	s21 =	simm.s32 $0x7900  }
0x72: {  	[tilespmem:s21], [sflag:$0x1] =	stream.indirect_vreg.gather [hbm4b:s4+s3], $0x80, v5, vm0, $0xb8;
	[tilespmem:$0x12D80] =	vst v63  }
0x73: {  	s22 =	simm.s32 $0x8500  }
0x74: {  	[tilespmem:s22], [sflag:$0x1] =	stream.indirect_vreg.gather [hbm4b:s4+s3], $0x80, v4, vm0, $0xb8;
	[tilespmem:$0x12D80] =	vst v63  }
0x75: {  	v4 =	vld [tilespmem:$0x60];
	_ =	sdelay $0x4  }
0x76: {  	v5 =	vshrl.u32 v4, $0x3  }
0x77: {  	v5 =	vmul.u32 $0x18, v5  }
0x78: {  	v4 =	vand.u32 $0x7, v4  }
0x79: {  	v4 =	vor.u32 v4, v5  }
0x7a: {  	v5 =	vperm.xlane v4, v0;
	_ =	sdelay $0x1  }
0x7b: {  	v4 =	vperm.xlane v4, v2;
	v5 =	vadd.s32 v1, v5;
	_ =	sdelay $0x1  }
0x7c: {  	v4 =	vadd.s32 v1, v4;
	_ =	sdelay $0x1  }
0x7d: {  	s23 =	simm.s32 $0x9100  }
0x7e: {  	[tilespmem:s23], [sflag:$0x1] =	stream.indirect_vreg.gather [hbm4b:s4+s3], $0x80, v5, vm0, $0xb8;
	[tilespmem:$0x12D80] =	vst v63  }
0x7f: {  	s24 =	simm.s32 $0x9D00  }
0x80: {  	[tilespmem:s24], [sflag:$0x1] =	stream.indirect_vreg.gather [hbm4b:s4+s3], $0x80, v4, vm0, $0xb8;
	[tilespmem:$0x12D80] =	vst v63  }
0x81: {  	v4 =	vld [tilespmem:$0x70];
	_ =	sdelay $0x4  }
0x82: {  	v5 =	vshrl.u32 v4, $0x3  }
0x83: {  	v5 =	vmul.u32 $0x18, v5  }
0x84: {  	v4 =	vand.u32 $0x7, v4  }
0x85: {  	v4 =	vor.u32 v4, v5  }
0x86: {  	v5 =	vperm.xlane v4, v0;
	_ =	sdelay $0x1  }
0x87: {  	v4 =	vperm.xlane v4, v2;
	v5 =	vadd.s32 v1, v5;
	_ =	sdelay $0x1  }
0x88: {  	v4 =	vadd.s32 v1, v4;
	_ =	sdelay $0x1  }
0x89: {  	s21 =	simm.s32 $0xA900  }
0x8a: {  	[tilespmem:s21], [sflag:$0x1] =	stream.indirect_vreg.gather [hbm4b:s4+s3], $0x80, v5, vm0, $0xb8;
	[tilespmem:$0x12D80] =	vst v63  }
0x8b: {  	s22 =	simm.s32 $0xB500  }
0x8c: {  	[tilespmem:s22], [sflag:$0x1] =	stream.indirect_vreg.gather [hbm4b:s4+s3], $0x80, v4, vm0, $0xb8;
	[tilespmem:$0x12D80] =	vst v63  }
0x8d: {  	v4 =	vld [tilespmem:$0x0];
	_ =	sdelay $0x4  }
0x8e: {  	v5 =	vshrl.u32 v4, $0x3  }
0x8f: {  	v5 =	vmul.u32 $0x18, v5  }
0x90: {  	v4 =	vand.u32 $0x7, v4  }
0x91: {  	v4 =	vor.u32 v4, v5  }
0x92: {  	v5 =	vperm.xlane v4, v0;
	_ =	sdelay $0x1  }
0x93: {  	v4 =	vperm.xlane v4, v2;
	v5 =	vadd.s32 v1, v5;
	_ =	sdelay $0x1  }
0x94: {  	v4 =	vadd.s32 v1, v4;
	_ =	sdelay $0x1  }
0x95: {  	s23 =	simm.s32 $0x500  }
0x96: {  	[tilespmem:s23], [sflag:$0x1] =	stream.indirect_vreg.gather [hbm4b:s8+s3], $0x80, v5, vm0, $0xb8;
	[tilespmem:$0x12D80] =	vst v63  }
0x97: {  	s24 =	simm.s32 $0x1100  }
0x98: {  	[tilespmem:s24], [sflag:$0x1] =	stream.indirect_vreg.gather [hbm4b:s8+s3], $0x80, v4, vm0, $0xb8;
	[tilespmem:$0x12D80] =	vst v63  }
0x99: {  	v4 =	vld [tilespmem:$0x10];
	_ =	sdelay $0x4  }
0x9a: {  	v5 =	vshrl.u32 v4, $0x3  }
0x9b: {  	v5 =	vmul.u32 $0x18, v5  }
0x9c: {  	v4 =	vand.u32 $0x7, v4  }
0x9d: {  	v4 =	vor.u32 v4, v5  }
0x9e: {  	v5 =	vperm.xlane v4, v0;
	_ =	sdelay $0x1  }
0x9f: {  	v4 =	vperm.xlane v4, v2;
	v5 =	vadd.s32 v1, v5;
	_ =	sdelay $0x1  }
0xa0: {  	v4 =	vadd.s32 v1, v4;
	_ =	sdelay $0x1  }
0xa1: {  	s21 =	simm.s32 $0x1D00  }
0xa2: {  	[tilespmem:s21], [sflag:$0x1] =	stream.indirect_vreg.gather [hbm4b:s8+s3], $0x80, v5, vm0, $0xb8;
	[tilespmem:$0x12D80] =	vst v63  }
0xa3: {  	s22 =	simm.s32 $0x2900  }
0xa4: {  	[tilespmem:s22], [sflag:$0x1] =	stream.indirect_vreg.gather [hbm4b:s8+s3], $0x80, v4, vm0, $0xb8;
	[tilespmem:$0x12D80] =	vst v63  }
0xa5: {  	v4 =	vld [tilespmem:$0x20];
	_ =	sdelay $0x4  }
0xa6: {  	v5 =	vshrl.u32 v4, $0x3  }
0xa7: {  	v5 =	vmul.u32 $0x18, v5  }
0xa8: {  	v4 =	vand.u32 $0x7, v4  }
0xa9: {  	v4 =	vor.u32 v4, v5  }
0xaa: {  	v5 =	vperm.xlane v4, v0;
	_ =	sdelay $0x1  }
0xab: {  	v4 =	vperm.xlane v4, v2;
	v5 =	vadd.s32 v1, v5;
	_ =	sdelay $0x1  }
0xac: {  	v4 =	vadd.s32 v1, v4;
	_ =	sdelay $0x1  }
0xad: {  	s23 =	simm.s32 $0x3500  }
0xae: {  	[tilespmem:s23], [sflag:$0x1] =	stream.indirect_vreg.gather [hbm4b:s8+s3], $0x80, v5, vm0, $0xb8;
	[tilespmem:$0x12D80] =	vst v63  }
0xaf: {  	s24 =	simm.s32 $0x4100  }
0xb0: {  	[tilespmem:s24], [sflag:$0x1] =	stream.indirect_vreg.gather [hbm4b:s8+s3], $0x80, v4, vm0, $0xb8;
	[tilespmem:$0x12D80] =	vst v63  }
0xb1: {  	v4 =	vld [tilespmem:$0x30];
	_ =	sdelay $0x4  }
0xb2: {  	v5 =	vshrl.u32 v4, $0x3  }
0xb3: {  	v5 =	vmul.u32 $0x18, v5  }
0xb4: {  	v4 =	vand.u32 $0x7, v4  }
0xb5: {  	v4 =	vor.u32 v4, v5  }
0xb6: {  	v5 =	vperm.xlane v4, v0;
	_ =	sdelay $0x1  }
0xb7: {  	v4 =	vperm.xlane v4, v2;
	v5 =	vadd.s32 v1, v5;
	_ =	sdelay $0x1  }
0xb8: {  	v4 =	vadd.s32 v1, v4;
	_ =	sdelay $0x1  }
0xb9: {  	s21 =	simm.s32 $0x4D00  }
0xba: {  	[tilespmem:s21], [sflag:$0x1] =	stream.indirect_vreg.gather [hbm4b:s8+s3], $0x80, v5, vm0, $0xb8;
	[tilespmem:$0x12D80] =	vst v63  }
0xbb: {  	s22 =	simm.s32 $0x5900  }
0xbc: {  	[tilespmem:s22], [sflag:$0x1] =	stream.indirect_vreg.gather [hbm4b:s8+s3], $0x80, v4, vm0, $0xb8;
	[tilespmem:$0x12D80] =	vst v63  }
0xbd: {  	v4 =	vld [tilespmem:$0x40];
	_ =	sdelay $0x4  }
0xbe: {  	v5 =	vshrl.u32 v4, $0x3  }
0xbf: {  	v5 =	vmul.u32 $0x18, v5  }
0xc0: {  	v4 =	vand.u32 $0x7, v4  }
0xc1: {  	v4 =	vor.u32 v4, v5  }
0xc2: {  	v5 =	vperm.xlane v4, v0;
	_ =	sdelay $0x1  }
0xc3: {  	v4 =	vperm.xlane v4, v2;
	v5 =	vadd.s32 v1, v5;
	_ =	sdelay $0x1  }
0xc4: {  	v4 =	vadd.s32 v1, v4;
	_ =	sdelay $0x1  }
0xc5: {  	s23 =	simm.s32 $0x6500  }
0xc6: {  	[tilespmem:s23], [sflag:$0x1] =	stream.indirect_vreg.gather [hbm4b:s8+s3], $0x80, v5, vm0, $0xb8;
	[tilespmem:$0x12D80] =	vst v63  }
0xc7: {  	s24 =	simm.s32 $0x7100  }
0xc8: {  	[tilespmem:s24], [sflag:$0x1] =	stream.indirect_vreg.gather [hbm4b:s8+s3], $0x80, v4, vm0, $0xb8;
	[tilespmem:$0x12D80] =	vst v63  }
0xc9: {  	v4 =	vld [tilespmem:$0x50];
	_ =	sdelay $0x4  }
0xca: {  	v5 =	vshrl.u32 v4, $0x3  }
0xcb: {  	v5 =	vmul.u32 $0x18, v5  }
0xcc: {  	v4 =	vand.u32 $0x7, v4  }
0xcd: {  	v4 =	vor.u32 v4, v5  }
0xce: {  	v5 =	vperm.xlane v4, v0;
	_ =	sdelay $0x1  }
0xcf: {  	v4 =	vperm.xlane v4, v2;
	v5 =	vadd.s32 v1, v5;
	_ =	sdelay $0x1  }
0xd0: {  	v4 =	vadd.s32 v1, v4;
	_ =	sdelay $0x1  }
0xd1: {  	s21 =	simm.s32 $0x7D00  }
0xd2: {  	[tilespmem:s21], [sflag:$0x1] =	stream.indirect_vreg.gather [hbm4b:s8+s3], $0x80, v5, vm0, $0xb8;
	[tilespmem:$0x12D80] =	vst v63  }
0xd3: {  	s22 =	simm.s32 $0x8900  }
0xd4: {  	[tilespmem:s22], [sflag:$0x1] =	stream.indirect_vreg.gather [hbm4b:s8+s3], $0x80, v4, vm0, $0xb8;
	[tilespmem:$0x12D80] =	vst v63  }
0xd5: {  	v4 =	vld [tilespmem:$0x60];
	_ =	sdelay $0x4  }
0xd6: {  	v5 =	vshrl.u32 v4, $0x3  }
0xd7: {  	v5 =	vmul.u32 $0x18, v5  }
0xd8: {  	v4 =	vand.u32 $0x7, v4  }
0xd9: {  	v4 =	vor.u32 v4, v5  }
0xda: {  	v5 =	vperm.xlane v4, v0;
	_ =	sdelay $0x1  }
0xdb: {  	v4 =	vperm.xlane v4, v2;
	v5 =	vadd.s32 v1, v5;
	_ =	sdelay $0x1  }
0xdc: {  	v4 =	vadd.s32 v1, v4;
	_ =	sdelay $0x1  }
0xdd: {  	s23 =	simm.s32 $0x9500  }
0xde: {  	[tilespmem:s23], [sflag:$0x1] =	stream.indirect_vreg.gather [hbm4b:s8+s3], $0x80, v5, vm0, $0xb8;
	[tilespmem:$0x12D80] =	vst v63  }
0xdf: {  	s24 =	simm.s32 $0xA100  }
0xe0: {  	[tilespmem:s24], [sflag:$0x1] =	stream.indirect_vreg.gather [hbm4b:s8+s3], $0x80, v4, vm0, $0xb8;
	[tilespmem:$0x12D80] =	vst v63  }
0xe1: {  	v4 =	vld [tilespmem:$0x70];
	_ =	sdelay $0x4  }
0xe2: {  	v5 =	vshrl.u32 v4, $0x3  }
0xe3: {  	v5 =	vmul.u32 $0x18, v5  }
0xe4: {  	v4 =	vand.u32 $0x7, v4  }
0xe5: {  	v4 =	vor.u32 v4, v5  }
0xe6: {  	v5 =	vperm.xlane v4, v0;
	_ =	sdelay $0x1  }
0xe7: {  	v4 =	vperm.xlane v4, v2;
	v5 =	vadd.s32 v1, v5;
	_ =	sdelay $0x1  }
0xe8: {  	v4 =	vadd.s32 v1, v4;
	_ =	sdelay $0x1  }
0xe9: {  	s21 =	simm.s32 $0xAD00  }
0xea: {  	[tilespmem:s21], [sflag:$0x1] =	stream.indirect_vreg.gather [hbm4b:s8+s3], $0x80, v5, vm0, $0xb8;
	[tilespmem:$0x12D80] =	vst v63  }
0xeb: {  	s22 =	simm.s32 $0xB900  }
0xec: {  	[tilespmem:s22], [sflag:$0x1] =	stream.indirect_vreg.gather [hbm4b:s8+s3], $0x80, v4, vm0, $0xb8;
	[tilespmem:$0x12D80] =	vst v63  }
0xed: {  	v4 =	vld [tilespmem:$0x0];
	_ =	sdelay $0x4  }
0xee: {  	v5 =	vshrl.u32 v4, $0x3  }
0xef: {  	v5 =	vmul.u32 $0x18, v5  }
0xf0: {  	v4 =	vand.u32 $0x7, v4  }
0xf1: {  	v4 =	vor.u32 v4, v5  }
0xf2: {  	v5 =	vperm.xlane v4, v0;
	_ =	sdelay $0x1  }
0xf3: {  	v4 =	vperm.xlane v4, v2;
	v5 =	vadd.s32 v1, v5;
	_ =	sdelay $0x1  }
0xf4: {  	v4 =	vadd.s32 v1, v4;
	_ =	sdelay $0x1  }
0xf5: {  	s23 =	simm.s32 $0x900  }
0xf6: {  	[tilespmem:s23], [sflag:$0x1] =	stream.indirect_vreg.gather [hbm4b:s17+s3], $0x80, v5, vm0, $0xb8;
	[tilespmem:$0x12D80] =	vst v63  }
0xf7: {  	s24 =	simm.s32 $0x1500  }
0xf8: {  	[tilespmem:s24], [sflag:$0x1] =	stream.indirect_vreg.gather [hbm4b:s17+s3], $0x80, v4, vm0, $0xb8;
	[tilespmem:$0x12D80] =	vst v63  }
0xf9: {  	v4 =	vld [tilespmem:$0x10];
	_ =	sdelay $0x4  }
0xfa: {  	v5 =	vshrl.u32 v4, $0x3  }
0xfb: {  	v5 =	vmul.u32 $0x18, v5  }
0xfc: {  	v4 =	vand.u32 $0x7, v4  }
0xfd: {  	v4 =	vor.u32 v4, v5  }
0xfe: {  	v5 =	vperm.xlane v4, v0;
	_ =	sdelay $0x1  }
0xff: {  	v4 =	vperm.xlane v4, v2;
	v5 =	vadd.s32 v1, v5;
	_ =	sdelay $0x1  }
0x100: {  	v4 =	vadd.s32 v1, v4;
	_ =	sdelay $0x1  }
0x101: {  	s21 =	simm.s32 $0x2100  }
0x102: {  	[tilespmem:s21], [sflag:$0x1] =	stream.indirect_vreg.gather [hbm4b:s17+s3], $0x80, v5, vm0, $0xb8;
	[tilespmem:$0x12D80] =	vst v63  }
0x103: {  	s22 =	simm.s32 $0x2D00  }
0x104: {  	[tilespmem:s22], [sflag:$0x1] =	stream.indirect_vreg.gather [hbm4b:s17+s3], $0x80, v4, vm0, $0xb8;
	[tilespmem:$0x12D80] =	vst v63  }
0x105: {  	v4 =	vld [tilespmem:$0x20];
	_ =	sdelay $0x4  }
0x106: {  	v5 =	vshrl.u32 v4, $0x3  }
0x107: {  	v5 =	vmul.u32 $0x18, v5  }
0x108: {  	v4 =	vand.u32 $0x7, v4  }
0x109: {  	v4 =	vor.u32 v4, v5  }
0x10a: {  	v5 =	vperm.xlane v4, v0;
	_ =	sdelay $0x1  }
0x10b: {  	v4 =	vperm.xlane v4, v2;
	v5 =	vadd.s32 v1, v5;
	_ =	sdelay $0x1  }
0x10c: {  	v4 =	vadd.s32 v1, v4;
	_ =	sdelay $0x1  }
0x10d: {  	s23 =	simm.s32 $0x3900  }
0x10e: {  	[tilespmem:s23], [sflag:$0x1] =	stream.indirect_vreg.gather [hbm4b:s17+s3], $0x80, v5, vm0, $0xb8;
	[tilespmem:$0x12D80] =	vst v63  }
0x10f: {  	s24 =	simm.s32 $0x4500  }
0x110: {  	[tilespmem:s24], [sflag:$0x1] =	stream.indirect_vreg.gather [hbm4b:s17+s3], $0x80, v4, vm0, $0xb8;
	[tilespmem:$0x12D80] =	vst v63  }
0x111: {  	v4 =	vld [tilespmem:$0x30];
	_ =	sdelay $0x4  }
0x112: {  	v5 =	vshrl.u32 v4, $0x3  }
0x113: {  	v5 =	vmul.u32 $0x18, v5  }
0x114: {  	v4 =	vand.u32 $0x7, v4  }
0x115: {  	v4 =	vor.u32 v4, v5  }
0x116: {  	v5 =	vperm.xlane v4, v0;
	_ =	sdelay $0x1  }
0x117: {  	v4 =	vperm.xlane v4, v2;
	v5 =	vadd.s32 v1, v5;
	_ =	sdelay $0x1  }
0x118: {  	v4 =	vadd.s32 v1, v4;
	_ =	sdelay $0x1  }
0x119: {  	s21 =	simm.s32 $0x5100  }
0x11a: {  	[tilespmem:s21], [sflag:$0x1] =	stream.indirect_vreg.gather [hbm4b:s17+s3], $0x80, v5, vm0, $0xb8;
	[tilespmem:$0x12D80] =	vst v63  }
0x11b: {  	s22 =	simm.s32 $0x5D00  }
0x11c: {  	[tilespmem:s22], [sflag:$0x1] =	stream.indirect_vreg.gather [hbm4b:s17+s3], $0x80, v4, vm0, $0xb8;
	[tilespmem:$0x12D80] =	vst v63  }
0x11d: {  	v4 =	vld [tilespmem:$0x40];
	_ =	sdelay $0x4  }
0x11e: {  	v5 =	vshrl.u32 v4, $0x3  }
0x11f: {  	v5 =	vmul.u32 $0x18, v5  }
0x120: {  	v4 =	vand.u32 $0x7, v4  }
0x121: {  	v4 =	vor.u32 v4, v5  }
0x122: {  	v5 =	vperm.xlane v4, v0;
	_ =	sdelay $0x1  }
0x123: {  	v4 =	vperm.xlane v4, v2;
	v5 =	vadd.s32 v1, v5;
	_ =	sdelay $0x1  }
0x124: {  	v4 =	vadd.s32 v1, v4;
	_ =	sdelay $0x1  }
0x125: {  	s23 =	simm.s32 $0x6900  }
0x126: {  	[tilespmem:s23], [sflag:$0x1] =	stream.indirect_vreg.gather [hbm4b:s17+s3], $0x80, v5, vm0, $0xb8;
	[tilespmem:$0x12D80] =	vst v63  }
0x127: {  	s24 =	simm.s32 $0x7500  }
0x128: {  	[tilespmem:s24], [sflag:$0x1] =	stream.indirect_vreg.gather [hbm4b:s17+s3], $0x80, v4, vm0, $0xb8;
	[tilespmem:$0x12D80] =	vst v63  }
0x129: {  	v4 =	vld [tilespmem:$0x50];
	_ =	sdelay $0x4  }
0x12a: {  	v5 =	vshrl.u32 v4, $0x3  }
0x12b: {  	v5 =	vmul.u32 $0x18, v5  }
0x12c: {  	v4 =	vand.u32 $0x7, v4  }
0x12d: {  	v4 =	vor.u32 v4, v5  }
0x12e: {  	v5 =	vperm.xlane v4, v0;
	_ =	sdelay $0x1  }
0x12f: {  	v4 =	vperm.xlane v4, v2;
	v5 =	vadd.s32 v1, v5;
	_ =	sdelay $0x1  }
0x130: {  	v4 =	vadd.s32 v1, v4;
	_ =	sdelay $0x1  }
0x131: {  	s21 =	simm.s32 $0x8100  }
0x132: {  	[tilespmem:s21], [sflag:$0x1] =	stream.indirect_vreg.gather [hbm4b:s17+s3], $0x80, v5, vm0, $0xb8;
	[tilespmem:$0x12D80] =	vst v63  }
0x133: {  	s22 =	simm.s32 $0x8D00  }
0x134: {  	[tilespmem:s22], [sflag:$0x1] =	stream.indirect_vreg.gather [hbm4b:s17+s3], $0x80, v4, vm0, $0xb8;
	[tilespmem:$0x12D80] =	vst v63  }
0x135: {  	v4 =	vld [tilespmem:$0x60];
	_ =	sdelay $0x4  }
0x136: {  	v5 =	vshrl.u32 v4, $0x3  }
0x137: {  	v5 =	vmul.u32 $0x18, v5  }
0x138: {  	v4 =	vand.u32 $0x7, v4  }
0x139: {  	v4 =	vor.u32 v4, v5  }
0x13a: {  	v5 =	vperm.xlane v4, v0;
	_ =	sdelay $0x1  }
0x13b: {  	v4 =	vperm.xlane v4, v2;
	v5 =	vadd.s32 v1, v5;
	_ =	sdelay $0x1  }
0x13c: {  	v4 =	vadd.s32 v1, v4;
	_ =	sdelay $0x1  }
0x13d: {  	s23 =	simm.s32 $0x9900  }
0x13e: {  	[tilespmem:s23], [sflag:$0x1] =	stream.indirect_vreg.gather [hbm4b:s17+s3], $0x80, v5, vm0, $0xb8;
	[tilespmem:$0x12D80] =	vst v63  }
0x13f: {  	s24 =	simm.s32 $0xA500  }
0x140: {  	[tilespmem:s24], [sflag:$0x1] =	stream.indirect_vreg.gather [hbm4b:s17+s3], $0x80, v4, vm0, $0xb8;
	[tilespmem:$0x12D80] =	vst v63  }
0x141: {  	v4 =	vld [tilespmem:$0x70];
	_ =	sdelay $0x4  }
0x142: {  	v5 =	vshrl.u32 v4, $0x3  }
0x143: {  	v5 =	vmul.u32 $0x18, v5  }
0x144: {  	v4 =	vand.u32 $0x7, v4  }
0x145: {  	v4 =	vor.u32 v4, v5  }
0x146: {  	v5 =	vperm.xlane v4, v0;
	_ =	sdelay $0x1  }
0x147: {  	v4 =	vperm.xlane v4, v2;
	v5 =	vadd.s32 v1, v5;
	_ =	sdelay $0x1  }
0x148: {  	v4 =	vadd.s32 v1, v4;
	_ =	sdelay $0x1  }
0x149: {  	s21 =	simm.s32 $0xB100  }
0x14a: {  	[tilespmem:s21], [sflag:$0x1] =	stream.indirect_vreg.gather [hbm4b:s17+s3], $0x80, v5, vm0, $0xb8;
	[tilespmem:$0x12D80] =	vst v63  }
0x14b: {  	s22 =	simm.s32 $0xBD00  }
0x14c: {  	[tilespmem:s22], [sflag:$0x1] =	stream.indirect_vreg.gather [hbm4b:s17+s3], $0x80, v4, vm0, $0xb8;
	[tilespmem:$0x12D80] =	vst v63  }
0x14d: {  	v4 =	vld [tilespmem:$0x80];
	_ =	sdelay $0x4  }
0x14e: {  	v5 =	vshrl.u32 v4, $0x3  }
0x14f: {  	v5 =	vmul.u32 $0x18, v5  }
0x150: {  	v4 =	vand.u32 $0x7, v4  }
0x151: {  	v4 =	vor.u32 v4, v5  }
0x152: {  	v5 =	vperm.xlane v4, v0;
	_ =	sdelay $0x1  }
0x153: {  	v4 =	vperm.xlane v4, v2;
	v5 =	vadd.s32 v1, v5;
	_ =	sdelay $0x1  }
0x154: {  	v4 =	vadd.s32 v1, v4;
	_ =	sdelay $0x1  }
0x155: {  	s23 =	simm.s32 $0xC100  }
0x156: {  	[tilespmem:s23], [sflag:$0x1] =	stream.indirect_vreg.gather [hbm4b:s4+s3], $0x80, v5, vm0, $0xb8;
	[tilespmem:$0x12D80] =	vst v63  }
0x157: {  	s24 =	simm.s32 $0xCD00  }
0x158: {  	[tilespmem:s24], [sflag:$0x1] =	stream.indirect_vreg.gather [hbm4b:s4+s3], $0x80, v4, vm0, $0xb8;
	[tilespmem:$0x12D80] =	vst v63  }
0x159: {  	v4 =	vld [tilespmem:$0x90];
	_ =	sdelay $0x4  }
0x15a: {  	v5 =	vshrl.u32 v4, $0x3  }
0x15b: {  	v5 =	vmul.u32 $0x18, v5  }
0x15c: {  	v4 =	vand.u32 $0x7, v4  }
0x15d: {  	v4 =	vor.u32 v4, v5  }
0x15e: {  	v5 =	vperm.xlane v4, v0;
	_ =	sdelay $0x1  }
0x15f: {  	v4 =	vperm.xlane v4, v2;
	v5 =	vadd.s32 v1, v5;
	_ =	sdelay $0x1  }
0x160: {  	v4 =	vadd.s32 v1, v4;
	_ =	sdelay $0x1  }
0x161: {  	s21 =	simm.s32 $0xD900  }
0x162: {  	[tilespmem:s21], [sflag:$0x1] =	stream.indirect_vreg.gather [hbm4b:s4+s3], $0x80, v5, vm0, $0xb8;
	[tilespmem:$0x12D80] =	vst v63  }
0x163: {  	s22 =	simm.s32 $0xE500  }
0x164: {  	[tilespmem:s22], [sflag:$0x1] =	stream.indirect_vreg.gather [hbm4b:s4+s3], $0x80, v4, vm0, $0xb8;
	[tilespmem:$0x12D80] =	vst v63  }
0x165: {  	v4 =	vld [tilespmem:$0xA0];
	_ =	sdelay $0x4  }
0x166: {  	v5 =	vshrl.u32 v4, $0x3  }
0x167: {  	v5 =	vmul.u32 $0x18, v5  }
0x168: {  	v4 =	vand.u32 $0x7, v4  }
0x169: {  	v4 =	vor.u32 v4, v5  }
0x16a: {  	v5 =	vperm.xlane v4, v0;
	_ =	sdelay $0x1  }
0x16b: {  	v4 =	vperm.xlane v4, v2;
	v5 =	vadd.s32 v1, v5;
	_ =	sdelay $0x1  }
0x16c: {  	v4 =	vadd.s32 v1, v4;
	_ =	sdelay $0x1  }
0x16d: {  	s23 =	simm.s32 $0xF100  }
0x16e: {  	[tilespmem:s23], [sflag:$0x1] =	stream.indirect_vreg.gather [hbm4b:s4+s3], $0x80, v5, vm0, $0xb8;
	[tilespmem:$0x12D80] =	vst v63  }
0x16f: {  	s24 =	simm.s32 $0xFD00  }
0x170: {  	[tilespmem:s24], [sflag:$0x1] =	stream.indirect_vreg.gather [hbm4b:s4+s3], $0x80, v4, vm0, $0xb8;
	[tilespmem:$0x12D80] =	vst v63  }
0x171: {  	v4 =	vld [tilespmem:$0xB0];
	_ =	sdelay $0x4  }
0x172: {  	v5 =	vshrl.u32 v4, $0x3  }
0x173: {  	v5 =	vmul.u32 $0x18, v5  }
0x174: {  	v4 =	vand.u32 $0x7, v4  }
0x175: {  	v4 =	vor.u32 v4, v5  }
0x176: {  	v5 =	vperm.xlane v4, v0;
	_ =	sdelay $0x1  }
0x177: {  	v4 =	vperm.xlane v4, v2;
	v5 =	vadd.s32 v1, v5;
	_ =	sdelay $0x1  }
0x178: {  	v4 =	vadd.s32 v1, v4;
	_ =	sdelay $0x1  }
0x179: {  	s21 =	simm.s32 $0x10900  }
0x17a: {  	[tilespmem:s21], [sflag:$0x1] =	stream.indirect_vreg.gather [hbm4b:s4+s3], $0x80, v5, vm0, $0xb8;
	[tilespmem:$0x12D80] =	vst v63  }
0x17b: {  	s22 =	simm.s32 $0x11500  }
0x17c: {  	[tilespmem:s22], [sflag:$0x1] =	stream.indirect_vreg.gather [hbm4b:s4+s3], $0x80, v4, vm0, $0xb8;
	[tilespmem:$0x12D80] =	vst v63  }
0x17d: {  	v4 =	vld.msk [tilespmem:$0xC0], $0xff;
	_ =	sdelay $0x4  }
0x17e: {  	v5 =	vshrl.u32 v4, $0x3  }
0x17f: {  	v5 =	vmul.u32 $0x18, v5  }
0x180: {  	v4 =	vand.u32 $0x7, v4  }
0x181: {  	v4 =	vor.u32 v4, v5  }
0x182: {  	v4 =	vperm.xlane v4, v0;
	_ =	sdelay $0x1  }
0x183: {  	v4 =	vadd.s32 v1, v4;
	_ =	sdelay $0x3  }
0x184: {  	s23 =	simm.s32 $0x12100  }
0x185: {  	[tilespmem:s23], [sflag:$0x1] =	stream.indirect_vreg.gather [hbm4b:s4+s3], $0x80, v4, vm0, $0xb8;
	[tilespmem:$0x12D80] =	vst v63  }
0x186: {  	v4 =	vld [tilespmem:$0x80];
	_ =	sdelay $0x4  }
0x187: {  	v5 =	vshrl.u32 v4, $0x3  }
0x188: {  	v5 =	vmul.u32 $0x18, v5  }
0x189: {  	v4 =	vand.u32 $0x7, v4  }
0x18a: {  	v4 =	vor.u32 v4, v5  }
0x18b: {  	v5 =	vperm.xlane v4, v0;
	_ =	sdelay $0x1  }
0x18c: {  	v4 =	vperm.xlane v4, v2;
	v5 =	vadd.s32 v1, v5;
	_ =	sdelay $0x1  }
0x18d: {  	v4 =	vadd.s32 v1, v4;
	_ =	sdelay $0x1  }
0x18e: {  	s24 =	simm.s32 $0xC500  }
0x18f: {  	[tilespmem:s24], [sflag:$0x1] =	stream.indirect_vreg.gather [hbm4b:s8+s3], $0x80, v5, vm0, $0xb8;
	[tilespmem:$0x12D80] =	vst v63  }
0x190: {  	s21 =	simm.s32 $0xD100  }
0x191: {  	[tilespmem:s21], [sflag:$0x1] =	stream.indirect_vreg.gather [hbm4b:s8+s3], $0x80, v4, vm0, $0xb8;
	[tilespmem:$0x12D80] =	vst v63  }
0x192: {  	v4 =	vld [tilespmem:$0x90];
	_ =	sdelay $0x4  }
0x193: {  	v5 =	vshrl.u32 v4, $0x3  }
0x194: {  	v5 =	vmul.u32 $0x18, v5  }
0x195: {  	v4 =	vand.u32 $0x7, v4  }
0x196: {  	v4 =	vor.u32 v4, v5  }
0x197: {  	v5 =	vperm.xlane v4, v0;
	_ =	sdelay $0x1  }
0x198: {  	v4 =	vperm.xlane v4, v2;
	v5 =	vadd.s32 v1, v5;
	_ =	sdelay $0x1  }
0x199: {  	v4 =	vadd.s32 v1, v4;
	_ =	sdelay $0x1  }
0x19a: {  	s22 =	simm.s32 $0xDD00  }
0x19b: {  	[tilespmem:s22], [sflag:$0x1] =	stream.indirect_vreg.gather [hbm4b:s8+s3], $0x80, v5, vm0, $0xb8;
	[tilespmem:$0x12D80] =	vst v63  }
0x19c: {  	s23 =	simm.s32 $0xE900  }
0x19d: {  	[tilespmem:s23], [sflag:$0x1] =	stream.indirect_vreg.gather [hbm4b:s8+s3], $0x80, v4, vm0, $0xb8;
	[tilespmem:$0x12D80] =	vst v63  }
0x19e: {  	v4 =	vld [tilespmem:$0xA0];
	_ =	sdelay $0x4  }
0x19f: {  	v5 =	vshrl.u32 v4, $0x3  }
0x1a0: {  	v5 =	vmul.u32 $0x18, v5  }
0x1a1: {  	v4 =	vand.u32 $0x7, v4  }
0x1a2: {  	v4 =	vor.u32 v4, v5  }
0x1a3: {  	v5 =	vperm.xlane v4, v0;
	_ =	sdelay $0x1  }
0x1a4: {  	v4 =	vperm.xlane v4, v2;
	v5 =	vadd.s32 v1, v5;
	_ =	sdelay $0x1  }
0x1a5: {  	v4 =	vadd.s32 v1, v4;
	_ =	sdelay $0x1  }
0x1a6: {  	s24 =	simm.s32 $0xF500  }
0x1a7: {  	[tilespmem:s24], [sflag:$0x1] =	stream.indirect_vreg.gather [hbm4b:s8+s3], $0x80, v5, vm0, $0xb8;
	[tilespmem:$0x12D80] =	vst v63  }
0x1a8: {  	_ = 	snop  }
0x1a9: {  	[tilespmem:s28], [sflag:$0x1] =	stream.indirect_vreg.gather [hbm4b:s8+s3], $0x80, v4, vm0, $0xb8;
	[tilespmem:$0x12D80] =	vst v63  }
0x1aa: {  	v4 =	vld [tilespmem:$0xB0];
	_ =	sdelay $0x4  }
0x1ab: {  	v5 =	vshrl.u32 v4, $0x3  }
0x1ac: {  	v5 =	vmul.u32 $0x18, v5  }
0x1ad: {  	v4 =	vand.u32 $0x7, v4  }
0x1ae: {  	v4 =	vor.u32 v4, v5  }
0x1af: {  	v5 =	vperm.xlane v4, v0;
	_ =	sdelay $0x1  }
0x1b0: {  	v4 =	vperm.xlane v4, v2;
	v5 =	vadd.s32 v1, v5;
	_ =	sdelay $0x1  }
0x1b1: {  	v4 =	vadd.s32 v1, v4;
	_ =	sdelay $0x2  }
0x1b2: {  	[tilespmem:s29], [sflag:$0x1] =	stream.indirect_vreg.gather [hbm4b:s8+s3], $0x80, v5, vm0, $0xb8;
	[tilespmem:$0x12D80] =	vst v63  }
0x1b3: {  	_ = 	snop  }
0x1b4: {  	[tilespmem:s30], [sflag:$0x1] =	stream.indirect_vreg.gather [hbm4b:s8+s3], $0x80, v4, vm0, $0xb8;
	[tilespmem:$0x12D80] =	vst v63  }
0x1b5: {  	v4 =	vld.msk [tilespmem:$0xC0], $0xff;
	_ =	sdelay $0x4  }
0x1b6: {  	v5 =	vshrl.u32 v4, $0x3  }
0x1b7: {  	v5 =	vmul.u32 $0x18, v5  }
0x1b8: {  	v4 =	vand.u32 $0x7, v4  }
0x1b9: {  	v4 =	vor.u32 v4, v5  }
0x1ba: {  	v4 =	vperm.xlane v4, v0;
	_ =	sdelay $0x1  }
0x1bb: {  	v4 =	vadd.s32 v1, v4;
	_ =	sdelay $0x4  }
0x1bc: {  	[tilespmem:s31], [sflag:$0x1] =	stream.indirect_vreg.gather [hbm4b:s8+s3], $0x80, v4, vm0, $0xb8;
	[tilespmem:$0x12D80] =	vst v63  }
0x1bd: {  	v4 =	vld [tilespmem:$0x80];
	_ =	sdelay $0x4  }
0x1be: {  	v5 =	vshrl.u32 v4, $0x3  }
0x1bf: {  	v5 =	vmul.u32 $0x18, v5  }
0x1c0: {  	v4 =	vand.u32 $0x7, v4  }
0x1c1: {  	v4 =	vor.u32 v4, v5  }
0x1c2: {  	v5 =	vperm.xlane v4, v0;
	_ =	sdelay $0x1  }
0x1c3: {  	v4 =	vperm.xlane v4, v2;
	v5 =	vadd.s32 v1, v5;
	_ =	sdelay $0x1  }
0x1c4: {  	v4 =	vadd.s32 v1, v4;
	_ =	sdelay $0x2  }
0x1c5: {  	[tilespmem:s0], [sflag:$0x1] =	stream.indirect_vreg.gather [hbm4b:s17+s3], $0x80, v5, vm0, $0xb8;
	[tilespmem:$0x12D80] =	vst v63  }
0x1c6: {  	_ = 	snop  }
0x1c7: {  	[tilespmem:s2], [sflag:$0x1] =	stream.indirect_vreg.gather [hbm4b:s17+s3], $0x80, v4, vm0, $0xb8;
	[tilespmem:$0x12D80] =	vst v63  }
0x1c8: {  	v4 =	vld [tilespmem:$0x90];
	_ =	sdelay $0x4  }
0x1c9: {  	v5 =	vshrl.u32 v4, $0x3  }
0x1ca: {  	v5 =	vmul.u32 $0x18, v5  }
0x1cb: {  	v4 =	vand.u32 $0x7, v4  }
0x1cc: {  	v4 =	vor.u32 v4, v5  }
0x1cd: {  	v5 =	vperm.xlane v4, v0;
	_ =	sdelay $0x1  }
0x1ce: {  	v4 =	vperm.xlane v4, v2;
	v5 =	vadd.s32 v1, v5;
	_ =	sdelay $0x1  }
0x1cf: {  	v4 =	vadd.s32 v1, v4;
	_ =	sdelay $0x2  }
0x1d0: {  	[tilespmem:s7], [sflag:$0x1] =	stream.indirect_vreg.gather [hbm4b:s17+s3], $0x80, v5, vm0, $0xb8;
	[tilespmem:$0x12D80] =	vst v63  }
0x1d1: {  	_ = 	snop  }
0x1d2: {  	[tilespmem:s9], [sflag:$0x1] =	stream.indirect_vreg.gather [hbm4b:s17+s3], $0x80, v4, vm0, $0xb8;
	[tilespmem:$0x12D80] =	vst v63  }
0x1d3: {  	v4 =	vld [tilespmem:$0xA0];
	_ =	sdelay $0x4  }
0x1d4: {  	v5 =	vshrl.u32 v4, $0x3  }
0x1d5: {  	v5 =	vmul.u32 $0x18, v5  }
0x1d6: {  	v4 =	vand.u32 $0x7, v4  }
0x1d7: {  	v4 =	vor.u32 v4, v5  }
0x1d8: {  	v5 =	vperm.xlane v4, v0;
	_ =	sdelay $0x1  }
0x1d9: {  	v4 =	vperm.xlane v4, v2;
	v5 =	vadd.s32 v1, v5;
	_ =	sdelay $0x1  }
0x1da: {  	v4 =	vadd.s32 v1, v4;
	_ =	sdelay $0x2  }
0x1db: {  	[tilespmem:s10], [sflag:$0x1] =	stream.indirect_vreg.gather [hbm4b:s17+s3], $0x80, v5, vm0, $0xb8;
	[tilespmem:$0x12D80] =	vst v63  }
0x1dc: {  	_ = 	snop  }
0x1dd: {  	[tilespmem:s1], [sflag:$0x1] =	stream.indirect_vreg.gather [hbm4b:s17+s3], $0x80, v4, vm0, $0xb8;
	[tilespmem:$0x12D80] =	vst v63  }
0x1de: {  	v4 =	vld [tilespmem:$0xB0];
	_ =	sdelay $0x4  }
0x1df: {  	v5 =	vshrl.u32 v4, $0x3  }
0x1e0: {  	v5 =	vmul.u32 $0x18, v5  }
0x1e1: {  	v4 =	vand.u32 $0x7, v4  }
0x1e2: {  	v4 =	vor.u32 v4, v5  }
0x1e3: {  	v5 =	vperm.xlane v4, v0;
	_ =	sdelay $0x1  }
0x1e4: {  	v4 =	vperm.xlane v4, v2;
	v5 =	vadd.s32 v1, v5;
	_ =	sdelay $0x1  }
0x1e5: {  	v4 =	vadd.s32 v1, v4;
	_ =	sdelay $0x2  }
0x1e6: {  	[tilespmem:s12], [sflag:$0x1] =	stream.indirect_vreg.gather [hbm4b:s17+s3], $0x80, v5, vm0, $0xb8;
	[tilespmem:$0x12D80] =	vst v63  }
0x1e7: {  	_ = 	snop  }
0x1e8: {  	[tilespmem:s13], [sflag:$0x1] =	stream.indirect_vreg.gather [hbm4b:s17+s3], $0x80, v4, vm0, $0xb8;
	[tilespmem:$0x12D80] =	vst v63  }
0x1e9: {  	v4 =	vld.msk [tilespmem:$0xC0], $0xff;
	_ =	sdelay $0x4  }
0x1ea: {  	v5 =	vshrl.u32 v4, $0x3  }
0x1eb: {  	v5 =	vmul.u32 $0x18, v5  }
0x1ec: {  	v4 =	vand.u32 $0x7, v4  }
0x1ed: {  	v4 =	vor.u32 v4, v5  }
0x1ee: {  	v4 =	vperm.xlane v4, v0;
	_ =	sdelay $0x1  }
0x1ef: {  	v4 =	vadd.s32 v1, v4;
	_ =	sdelay $0x4  }
0x1f0: {  	[tilespmem:s14], [sflag:$0x1] =	stream.indirect_vreg.gather [hbm4b:s17+s3], $0x80, v4, vm0, $0xb8;
	[tilespmem:$0x12D80] =	vst v63  }
0x1f1: {  	_ =	swait.ge [sflag:s15], $0x4000  }
0x1f2: {  	[sflag:s15] =	ssyncset.done $0x0  }
0x1f3: {  	[sflag:s15] =	ssyncadd.s32 $0xFFFFC000  }
0x1f4: {  	_ =	swait.ge [sflag:s15], $0x4000  }
0x1f5: {  	[sflag:s15] =	ssyncset.done $0x0  }
0x1f6: {  	[sflag:s15] =	ssyncadd.s32 $0xFFFFC000  }
0x1f7: {  	_ =	swait.ge [sflag:s15], $0x4000  }
0x1f8: {  	[sflag:s15] =	ssyncset.done $0x0  }
0x1f9: {  	[sflag:s15] =	ssyncadd.s32 $0xFFFFC000  }
0x1fa: {  	_ =	swait.ge [sflag:s15], $0x2400  }
0x1fb: {  	[sflag:s15] =	ssyncset.done $0x0  }
0x1fc: {  	[sflag:s15] =	ssyncadd.s32 $0xFFFFDC00  }
0x1fd: {  	_ =	swait.ge [sflag:s15], $0x2400  }
0x1fe: {  	v4 =	vmov s18;
	[sflag:s15] =	ssyncset.done $0x0  }
0x1ff: {  	[sflag:s15] =	ssyncadd.s32 $0xFFFFDC00  }
0x200: {  	_ =	swait.ge [sflag:s15], $0x2400  }
0x201: {  	[sflag:s15] =	ssyncset.done $0x0  }
0x202: {  	[sflag:s15] =	ssyncadd.s32 $0xFFFFDC00  }
0x203: {  	v4 =	vld.idx.msk [tilespmem:v4+s26+$0x0], $0xffff;
	_ =	sdelay $0x4  }
0x204: {  	(v2sf) =	vpush v4, $0x0;
	_ =	sdelay $0xe  }
0x205: {  	s20 =	spop (v2sf)  }
0x206: {  	p0 =	sgt.s32 s20, $0xC7  }
.Ltmp2:
0x207: {  	_ = 	snop;
	(pc) =	sbr.rel @p0 .LBB2_10-.Ltmp2, $1  }
0x208: {  	_ =	sdelay $0x3  }
0x209: {  	p1 =	sne.s32 s20, $0xC7  }
.Ltmp3:
0x20a: {  	_ = 	snop;
	(pc) =	sbr.rel @!p1 .LBB2_4-.Ltmp3, $3  }
0x20b: {  	_ =	sdelay $0x1  }
0x20c: {  	s22 =	sshll.u32 s20, $0x7;
	s21 =	sshrl.u32 s20, $0x3  }
0x20d: {  	s20 =	sadd.s32 $0x1, s20;
	p0 =	por $0x0, $0x0;
	s24 =	smul.u32 $0x3000, s21  }
0x20e: {  	_ = 	snop  }
0x20f: {  	s21 =	sand.u32 $0x380, s22;
	s23 =	sshra.s32 s24, $0x2  }
0x210: {  	s21 =	sor.u32 s21, s23  }
0x211: {  	[tilespmem:s21+$0x910] =	vst v3  }
0x212: {  	[tilespmem:s21+$0x100] =	vst v3  }
0x213: {  	[tilespmem:s21+$0x110] =	vst v3  }
0x214: {  	[tilespmem:s21+$0x120] =	vst v3  }
0x215: {  	[tilespmem:s21+$0x130] =	vst v3  }
0x216: {  	[tilespmem:s21+$0x140] =	vst v3  }
0x217: {  	[tilespmem:s21+$0x150] =	vst v3  }
0x218: {  	[tilespmem:s21+$0x160] =	vst v3  }
0x219: {  	[tilespmem:s21+$0x170] =	vst v3  }
0x21a: {  	[tilespmem:s21+$0x500] =	vst v3  }
0x21b: {  	p1 =	sne.s32 s20, $0xC7;
	[tilespmem:s21+$0x510] =	vst v3  }
.Ltmp4:
0x21c: {  	[tilespmem:s21+$0x520] =	vst v3;
	(pc) =	sbr.rel @!p1 .LBB2_6-.Ltmp4, $4  }
0x21d: {  	[tilespmem:s21+$0x530] =	vst v3  }
0x21e: {  	[tilespmem:s21+$0x540] =	vst v3  }
0x21f: {  	s26 =	smov.u32 s25;
	s25 =	sshrl.u32 s20, $0x3;
	p0 =	por $0x1, $0x1;
	[tilespmem:s21+$0x550] =	vst v3  }
0x220: {  	s24 =	smul.u32 $0x3000, s25;
	s23 =	sadd.s32 $0x1, s20;
	s20 =	smov.u32 s22;
	[tilespmem:s21+$0x91C] =	vst v3  }
.LBB2_7:
0x221: {  	p1 =	sne.s32 s23, $0xC7;
	[tilespmem:s21+$0x560] =	vst v3;
	s20 =	sadd.s32 $0x80, s20  }
0x222: {  	s25 =	sand.u32 $0x380, s20;
	s24 =	sshra.s32 s24, $0x2;
	[tilespmem:s21+$0x570] =	vst v3  }
0x223: {  	[tilespmem:s21+$0x900] =	vst v3;
	s21 =	sor.u32 s25, s24  }
0x224: {  	[tilespmem:s21+$0x910] =	vst v3  }
0x225: {  	[tilespmem:s21+$0x91C] =	vst v3  }
0x226: {  	[tilespmem:s21+$0x100] =	vst v3  }
0x227: {  	[tilespmem:s21+$0x110] =	vst v3  }
0x228: {  	[tilespmem:s21+$0x120] =	vst v3  }
0x229: {  	[tilespmem:s21+$0x130] =	vst v3  }
0x22a: {  	[tilespmem:s21+$0x140] =	vst v3  }
0x22b: {  	[tilespmem:s21+$0x150] =	vst v3  }
0x22c: {  	[tilespmem:s21+$0x160] =	vst v3  }
0x22d: {  	[tilespmem:s21+$0x170] =	vst v3  }
0x22e: {  	[tilespmem:s21+$0x500] =	vst v3  }
.Ltmp5:
0x22f: {  	[tilespmem:s21+$0x510] =	vst v3;
	(pc) =	sbr.rel @p1 .LBB2_7-.Ltmp5, $4  }
0x230: {  	[tilespmem:s21+$0x520] =	vst v3  }
0x231: {  	[tilespmem:s21+$0x530] =	vst v3  }
0x232: {  	s24 =	sshrl.u32 s23, $0x3;
	[tilespmem:s21+$0x540] =	vst v3  }
0x233: {  	s23 =	sadd.s32 $0x1, s23;
	s24 =	smul.u32 $0x3000, s24;
	[tilespmem:s21+$0x550] =	vst v3  }
0x234: {  	s25 =	smov.u32 s26;
	s26 =	simm.s32 $0x12D00  }
.LBB2_9:
0x235: {  	s20 =	sadd.s32 @p0 $0x80, s20  }
0x236: {  	[tilespmem:s21+$0x560] =	vst @p0 v3;
	s22 =	smov.u32 @p0 s20  }
0x237: {  	s24 =	sshra.s32 s24, $0x2;
	[tilespmem:s21+$0x570] =	vst @p0 v3;
	s20 =	sand.u32 $0x380, s22  }
0x238: {  	[tilespmem:s21+$0x900] =	vst @p0 v3;
	s20 =	sor.u32 s20, s24  }
0x239: {  	[tilespmem:s20+$0x910] =	vst v3  }
0x23a: {  	[tilespmem:s20+$0x100] =	vst v3  }
0x23b: {  	[tilespmem:s20+$0x110] =	vst v3  }
0x23c: {  	[tilespmem:s20+$0x120] =	vst v3  }
0x23d: {  	[tilespmem:s20+$0x130] =	vst v3  }
0x23e: {  	[tilespmem:s20+$0x140] =	vst v3  }
0x23f: {  	[tilespmem:s20+$0x150] =	vst v3  }
0x240: {  	[tilespmem:s20+$0x160] =	vst v3  }
0x241: {  	[tilespmem:s20+$0x170] =	vst v3  }
0x242: {  	[tilespmem:s20+$0x500] =	vst v3  }
0x243: {  	[tilespmem:s20+$0x510] =	vst v3  }
0x244: {  	[tilespmem:s20+$0x520] =	vst v3  }
0x245: {  	[tilespmem:s20+$0x530] =	vst v3  }
0x246: {  	[tilespmem:s20+$0x540] =	vst v3  }
0x247: {  	[tilespmem:s20+$0x550] =	vst v3  }
0x248: {  	[tilespmem:s20+$0x560] =	vst v3  }
0x249: {  	[tilespmem:s20+$0x570] =	vst v3  }
0x24a: {  	[tilespmem:s20+$0x900] =	vst v3  }
0x24b: {  	[tilespmem:s20+$0x91C] =	vst v3  }
.LBB2_10:
0x24c: {  	s19 =	smul.u32 $0x12C00, s19;
	_ =	sdelay $0x1  }
0x24d: {  	s20 =	sshrl.u32 s19, $0x3  }
0x24e: {  	s21 =	simm.s32 $0x100;
	s20 =	sadd.s32 s6, s20  }
0x24f: {  	s22 =	simm.s32 $0x180;
	s23 =	simm.s32 $0xD00;
	s24 =	sadd.s32 $0x0, s20  }
.LBB2_11:
0x250: {  	[hbm4b:s24+s3] =	stream.linear.scatter [tilespmem:s21], [sflag:$0x1], $0x400, $0x38;
	[tilespmem:$0x12D80] =	vst v63  }
0x251: {  	s24 =	smov.u32 s22;
	s21 =	smov.u32 s23;
	p0 =	sne.s32 s22, $0x2400  }
.Ltmp6:
0x252: {  	s22 =	sadd.s32 $0x180, s22;
	(pc) =	sbr.rel @p0 .LBB2_11-.Ltmp6, $2  }
0x253: {  	_ =	sdelay $0x2  }
0x254: {  	s23 =	sadd.s32 $0xC00, s23;
	s24 =	sadd.s32 s24, s20  }
0x255: {  	[hbm4b:s24+s3] =	stream.linear.scatter [tilespmem:s21], [sflag:$0x1], $0x400, $0x38;
	[tilespmem:$0x12D80] =	vst v63  }
0x256: {  	s20 =	sadd.s32 $0x80, s20;
	s21 =	simm.s32 $0x500  }
0x257: {  	s22 =	simm.s32 $0x180;
	s23 =	simm.s32 $0x1100;
	s24 =	sadd.s32 $0x0, s20  }
.LBB2_13:
0x258: {  	[hbm4b:s24+s3] =	stream.linear.scatter [tilespmem:s21], [sflag:$0x1], $0x400, $0x38;
	[tilespmem:$0x12D80] =	vst v63  }
0x259: {  	s24 =	smov.u32 s22;
	s21 =	smov.u32 s23;
	p0 =	sne.s32 s22, $0x2400  }
.Ltmp7:
0x25a: {  	s22 =	sadd.s32 $0x180, s22;
	(pc) =	sbr.rel @p0 .LBB2_13-.Ltmp7, $2  }
0x25b: {  	_ =	sdelay $0x2  }
0x25c: {  	s23 =	sadd.s32 $0xC00, s23;
	s24 =	sadd.s32 s24, s20  }
0x25d: {  	[hbm4b:s24+s3] =	stream.linear.scatter [tilespmem:s21], [sflag:$0x1], $0x400, $0x38;
	[tilespmem:$0x12D80] =	vst v63  }
0x25e: {  	s19 =	sadd.s32 s16, s19  }
0x25f: {  	s19 =	sshrl.u32 s19, $0x3  }
0x260: {  	s20 =	simm.s32 $0x900;
	s19 =	sadd.s32 s6, s19  }
0x261: {  	s21 =	simm.s32 $0x180;
	s22 =	simm.s32 $0x1500;
	s23 =	sadd.s32 $0x0, s19  }
.LBB2_15:
0x262: {  	[hbm4b:s23+s3] =	stream.linear.scatter [tilespmem:s20], [sflag:$0x1], $0x400, $0x38;
	[tilespmem:$0x12D80] =	vst v63  }
0x263: {  	s23 =	smov.u32 s21;
	s20 =	smov.u32 s22;
	p0 =	sne.s32 s21, $0x2400  }
.Ltmp8:
0x264: {  	s21 =	sadd.s32 $0x180, s21;
	(pc) =	sbr.rel @p0 .LBB2_15-.Ltmp8, $2  }
0x265: {  	_ =	sdelay $0x2  }
0x266: {  	s22 =	sadd.s32 $0xC00, s22;
	s23 =	sadd.s32 s23, s19  }
0x267: {  	[hbm4b:s23+s3] =	stream.linear.scatter [tilespmem:s20], [sflag:$0x1], $0x400, $0x38;
	[tilespmem:$0x12D80] =	vst v63  }
0x268: {  	_ =	swait.ge [sflag:s15], $0x6400  }
0x269: {  	[sflag:s15] =	ssyncset.done $0x0  }
0x26a: {  	s18 =	sadd.s32 $0x1, s18;
	[sflag:s15] =	ssyncadd.s32 $0xFFFF9C00  }
0x26b: {  	p0 =	sne.s32 s18, $0x20;
	_ =	swait.ge [sflag:s15], $0x6400  }
.Ltmp9:
0x26c: {  	[sflag:s15] =	ssyncset.done $0x0;
	(pc) =	sbr.rel @p0 .LBB2_2-.Ltmp9, $4  }
.Ltmp10:
0x26d: {  	[sflag:s15] =	ssyncadd.s32 $0xFFFF9C00;
	(pc) =	sbr.rel @!p0 .LBB2_17-.Ltmp10, $4  }
0x26e: {  	_ =	swait.ge [sflag:s15], $0x6400  }
0x26f: {  	[sflag:s15] =	ssyncset.done $0x0  }
0x270: {  	[sflag:s15] =	ssyncadd.s32 $0xFFFF9C00  }
0x271: {  	_ = 	snop  }
.LBB2_4:
.Ltmp11:
0x272: {  	(pc) =	sbr.rel .LBB2_9-.Ltmp11, $2  }
0x273: {  	_ =	sdelay $0x2  }
0x274: {  	s20 =	smov.u32 s22  }
.LBB2_6:
.Ltmp12:
0x275: {  	(pc) =	sbr.rel .LBB2_9-.Ltmp12, $2  }
0x276: {  	_ =	sdelay $0x2  }
0x277: {  	s20 =	smov.u32 s22;
	s25 =	smov.u32 s26;
	s26 =	simm.s32 $0x12D00  }
.LBB2_18:
0x278: {  	_ =	sfence.sel $0x180000  }
0x279: {  	[bflag:$0x0] =	sbarrier.arrive $0xFFFF  }
0x27a: {  	_ =	strace $0x90000047  }
0x27b: {  	s0 =	stileid.u32;
	[bflag:$0x2] =	sbarrier.arrive $0xFFFF  }
0x27c: {  	p0 =	sne.s32 s0, $0x0;
	s0 =	rddreg [dreg:$0x3]  }
0x27d: {  	s0 =	sadd.s32 @!p0 $0x100000, s0  }
0x27e: {  	[sflag:s0] =	ssyncadd.tile.s32 @!p0 $0x1;
	_ =	shalt  }
.Lfunc_end2:
_tile_overlayer_lowered:
.L_overlay_start_2:
0x27f: {  	(tag) =	ssettag $0x2  }
0x280: {  	s0 =	rddreg [dreg:$0x0];
	s2 =	stileid.u32  }
0x281: {  	s1 =	rddreg [dreg:$0x1];
	p0 =	sne.s32 s2, $0x0  }
0x282: {  	s3 =	rddreg [dreg:$0x2];
	[bflag:$0x3] =	sbarrier.arrive $0xFFFF;
	s2 =	simm.s32 @!p0 $0x1C02  }
0x283: {  	[timem:s3], [sflag:s2] =	dma.local @!p0 [hbm:s0], s1  }
0x284: {  	s0 =	simm.s32 @!p0 $0x2  }
0x285: {  	_ =	swait.ge @!p0 [sflag:s0], s1  }
0x286: {  	s1 =	ssub.s32 @!p0 $0x0, s1;
	[sflag:s0] =	ssyncset.done @!p0 $0x0  }
0x287: {  	[sflag:s0] =	ssyncadd.s32 @!p0 s1  }
0x288: {  	[bflag:$0x3] =	sbarrier.arrive $0xFFFF  }
0x289: {  	_ =	shalt  }

</sc_bundles>
